<compile_context>
chip_gen: v7x
topology: tpu7x:2x2x1
jax: 0.10.2.dev20260603
libtpu: 0.0.44.dev20260713+nightly
codegen_flags: <defaults>
</compile_context>

<pallas_src>
import functools

import jax
import jax.numpy as jnp
from jax import lax
from jax.experimental import pallas as pl
from jax.experimental.pallas import tpu as pltpu
from jax.experimental.pallas import tpu_sc as plsc

N_ROWS = 16384
N_FEATURES = 16384
NNZ = 2684354

NC = 2
NS = 16
NW = NC * NS
L = 16

CHUNK = 4096
BLK = 128
N_BLOCKS = NNZ // BLK
TAIL_START = N_BLOCKS * BLK
TAIL = NNZ - TAIL_START
TAIL_PAD = BLK
N_FULL = 20
REM_LO = 1920
REM_HI = 2048
TAIL_WID = 0
UNROLL = 8


def _process_vec(off, vals_ref, rows_ref, cols_ref, weight_v, acc_v):
    rows16 = rows_ref[pl.ds(off, L)]
    cols16 = cols_ref[pl.ds(off, L)]
    vals16 = vals_ref[pl.ds(off, L)]
    w16 = plsc.load_gather(weight_v, [cols16])
    plsc.addupdate_scatter(acc_v, [rows16], vals16 * w16)


def _sc_body(vals_hbm, idx_hbm, w_hbm, tvals_hbm, tidx_hbm, parts_hbm,
             weight_v, acc_v, vals0_v, vals1_v, rows0_v, rows1_v,
             cols0_v, cols1_v, tvals_v, trows_v, tcols_v, sem0, sem1):
    wid = lax.axis_index("s") * NC + lax.axis_index("c")
    sems = (sem0, sem1)
    valsb = (vals0_v, vals1_v)
    rowsb = (rows0_v, rows1_v)
    colsb = (cols0_v, cols1_v)

    start = (wid * N_BLOCKS // NW) * BLK
    cnt = ((wid + 1) * N_BLOCKS // NW) * BLK - start
    rem = cnt - N_FULL * CHUNK

    def _start_dma(k, slot, size):
        base = start + k * CHUNK
        pltpu.async_copy(vals_hbm.at[pl.ds(base, size)],
                         valsb[slot].at[pl.ds(0, size)], sems[slot])
        pltpu.async_copy(idx_hbm.at[0, pl.ds(base, size)],
                         rowsb[slot].at[pl.ds(0, size)], sems[slot])
        pltpu.async_copy(idx_hbm.at[1, pl.ds(base, size)],
                         colsb[slot].at[pl.ds(0, size)], sems[slot])

    def _drain(slot, size):
        pltpu.make_async_copy(vals_hbm.at[pl.ds(0, size)],
                              valsb[slot].at[pl.ds(0, size)], sems[slot]).wait()
        pltpu.make_async_copy(idx_hbm.at[0, pl.ds(0, size)],
                              rowsb[slot].at[pl.ds(0, size)], sems[slot]).wait()
        pltpu.make_async_copy(idx_hbm.at[1, pl.ds(0, size)],
                              colsb[slot].at[pl.ds(0, size)], sems[slot]).wait()

    def _compute(slot, size):
        @plsc.parallel_loop(0, size // L, unroll=UNROLL)
        def _vec(i):
            _process_vec(i * L, valsb[slot], rowsb[slot],
                         colsb[slot], weight_v, acc_v)

    _start_dma(0, 0, CHUNK)

    pltpu.async_copy(w_hbm, weight_v, sems[1])

    @plsc.parallel_loop(0, N_ROWS // L, unroll=8)
    def _zero(i):
        acc_v[pl.ds(i * L, L)] = jnp.zeros((L,), jnp.float32)

    pltpu.make_async_copy(w_hbm, weight_v, sems[1]).wait()

    def _outer(j, _):
        for b in range(2):
            k = j * 2 + b
            _start_dma(k + 1, 1 - b, CHUNK)
            _drain(b, CHUNK)
            _compute(b, CHUNK)
        return 0
    lax.fori_loop(0, (N_FULL - 2) // 2, _outer, 0)

    _start_dma(N_FULL - 1, 1, CHUNK)
    _drain(0, CHUNK)
    _compute(0, CHUNK)

    @pl.when(rem == REM_HI)
    def _pf_hi():
        _start_dma(N_FULL, 0, REM_HI)

    @pl.when(rem == REM_LO)
    def _pf_lo():
        _start_dma(N_FULL, 0, REM_LO)

    _drain(1, CHUNK)
    _compute(1, CHUNK)

    @pl.when(rem == REM_HI)
    def _last_hi():
        _drain(0, REM_HI)
        _compute(0, REM_HI)

    @pl.when(rem == REM_LO)
    def _last_lo():
        _drain(0, REM_LO)
        _compute(0, REM_LO)

    @pl.when(wid == TAIL_WID)
    def _tail():
        pltpu.sync_copy(tvals_hbm, tvals_v)
        pltpu.sync_copy(tidx_hbm.at[0], trows_v)
        pltpu.sync_copy(tidx_hbm.at[1], tcols_v)

        @plsc.parallel_loop(0, TAIL_PAD // L, unroll=4)
        def _vec(i):
            _process_vec(i * L, tvals_v, trows_v, tcols_v, weight_v, acc_v)

    pltpu.sync_copy(acc_v, parts_hbm.at[wid])


@functools.partial(
    pl.kernel,
    out_type=jax.ShapeDtypeStruct((NW, N_ROWS), jnp.float32),
    mesh=plsc.VectorSubcoreMesh(core_axis_name="c", subcore_axis_name="s"),
    compiler_params=pltpu.CompilerParams(needs_layout_passes=False),
    scratch_types=[
        pltpu.VMEM((N_FEATURES,), jnp.float32),
        pltpu.VMEM((N_ROWS,), jnp.float32),
        pltpu.VMEM((CHUNK,), jnp.float32),
        pltpu.VMEM((CHUNK,), jnp.float32),
        pltpu.VMEM((CHUNK,), jnp.int32),
        pltpu.VMEM((CHUNK,), jnp.int32),
        pltpu.VMEM((CHUNK,), jnp.int32),
        pltpu.VMEM((CHUNK,), jnp.int32),
        pltpu.VMEM((TAIL_PAD,), jnp.float32),
        pltpu.VMEM((TAIL_PAD,), jnp.int32),
        pltpu.VMEM((TAIL_PAD,), jnp.int32),
        pltpu.SemaphoreType.DMA,
        pltpu.SemaphoreType.DMA,
    ],
)
def _sc_spmv(vals_hbm, idx_hbm, w_hbm, tvals_hbm, tidx_hbm, parts_hbm, *scratch):
    _sc_body(vals_hbm, idx_hbm, w_hbm, tvals_hbm, tidx_hbm, parts_hbm, *scratch)


def _tc_reduce_body(bias_ref, parts_ref, out_ref):
    out_ref[...] = jnp.sum(parts_ref[...], axis=0) + bias_ref[0]


def _tc_reduce(parts, bias):
    return pl.pallas_call(
        _tc_reduce_body,
        out_shape=jax.ShapeDtypeStruct((N_ROWS,), jnp.float32),
        in_specs=[
            pl.BlockSpec(memory_space=pltpu.SMEM),
            pl.BlockSpec(memory_space=pltpu.VMEM),
        ],
        out_specs=pl.BlockSpec(memory_space=pltpu.VMEM),
    )(bias, parts)


def kernel(x_values, x_indices, weight, bias):
    w_flat = weight.reshape(N_FEATURES)
    tvals = jnp.pad(lax.slice(x_values, (TAIL_START,), (NNZ,)),
                    (0, TAIL_PAD - TAIL))
    tidx = jnp.pad(lax.slice(x_indices, (0, TAIL_START), (2, NNZ)),
                   ((0, 0), (0, TAIL_PAD - TAIL)))
    parts = _sc_spmv(x_values, x_indices, w_flat, tvals, tidx)
    return _tc_reduce(parts, bias)

# --- scband reference (transcript-rebuilt; emitter-appended) ---
"""Pipeline reference for scband-torch-sparse-logistic-regression-60035052863543 (READ-ONLY COPY).

The authoritative reference and input builder live on the scoring server;
editing this copy changes nothing except your own understanding.
"""

import jax, jax.numpy as jnp
import numpy as np

N_ROWS = 16384
N_FEATURES = 16384
NNZ = 2684354

def setup_inputs(seed: int = 0) -> dict:
    key = jax.random.key(seed)
    k1, k2, k3 = jax.random.split(key, 3)
    x_indices = jax.random.randint(k1, (2, NNZ), 0, N_FEATURES, dtype=jnp.int64) if jax.config.jax_enable_x64 else jax.random.randint(k1, (2, NNZ), 0, N_FEATURES, dtype=jnp.int32)
    x_values = jax.random.normal(k2, (NNZ,), dtype=jnp.float32)
    weight = jax.random.normal(k3, (N_FEATURES, 1), dtype=jnp.float32) * 0.02
    bias = jnp.zeros((1,), dtype=jnp.float32)
    return {"x_values": x_values, "x_indices": x_indices, "weight": weight, "bias": bias}

def reference(x_values, x_indices, weight, bias):
    # torch.sparse.mm(x_sparse, weight).squeeze(1) + bias
    # x_sparse is COO [N_ROWS, N_FEATURES]; SpMV = gather weight by col, scale by vals, scatter-add by row.
    row = x_indices[0]
    col = x_indices[1]
    contrib = x_values * jnp.take(weight[:, 0], col, axis=0)
    out = jax.ops.segment_sum(contrib, row, num_segments=N_ROWS)
    return out + bias[0]

if __name__ == "__main__":
    import jax
    _d = setup_inputs()
    print(jax.jit(kernel)(*tuple(_d.values())))

</pallas_src>

<mosaic_0001>
#map = affine_map<(d0, d1) -> (0)>
#map1 = affine_map<(d0, d1) -> (0, 0)>
module attributes {stable_mosaic.version = 14 : i64} {
  func.func @_sc_spmv(%arg0: i32, %arg1: i32, %arg2: memref<2684354xf32, #tpu.memory_space<hbm>>, %arg3: memref<2x2684354xi32, #tpu.memory_space<hbm>>, %arg4: memref<16384xf32, #tpu.memory_space<hbm>>, %arg5: memref<128xf32, #tpu.memory_space<hbm>>, %arg6: memref<2x128xi32, #tpu.memory_space<hbm>>, %arg7: memref<32x16384xf32, #tpu.memory_space<hbm>>, %arg8: memref<16384xf32, #tpu.memory_space<vmem>>, %arg9: memref<16384xf32, #tpu.memory_space<vmem>>, %arg10: memref<4096xf32, #tpu.memory_space<vmem>>, %arg11: memref<4096xf32, #tpu.memory_space<vmem>>, %arg12: memref<4096xi32, #tpu.memory_space<vmem>>, %arg13: memref<4096xi32, #tpu.memory_space<vmem>>, %arg14: memref<4096xi32, #tpu.memory_space<vmem>>, %arg15: memref<4096xi32, #tpu.memory_space<vmem>>, %arg16: memref<128xf32, #tpu.memory_space<vmem>>, %arg17: memref<128xi32, #tpu.memory_space<vmem>>, %arg18: memref<128xi32, #tpu.memory_space<vmem>>, %arg19: memref<!tpu.dma_semaphore, #tpu.memory_space<semaphore_mem>>, %arg20: memref<!tpu.dma_semaphore, #tpu.memory_space<semaphore_mem>>) attributes {dimension_semantics = [#tpu.dimension_semantics<core_parallel>, #tpu.dimension_semantics<subcore_parallel>], iteration_bounds = array<i64: 2, 16>, scalar_prefetch = 0 : i64, scratch_operands = 13 : i64, tpu.core_type = #tpu.core_type<sc_vector_subcore>, window_params = [{transform_indices = #map}, {transform_indices = #map1}, {transform_indices = #map}, {transform_indices = #map}, {transform_indices = #map1}, {transform_indices = #map1}]} {
    %mul3A = arith.constant 2 : i32
    %mul3A_0 = arith.muli %arg1, %mul3A : i32
    %add3A = arith.addi %mul3A_0, %arg0 : i32
    %mul3A_1 = arith.constant 20971 : i32
    %mul3A_2 = arith.muli %add3A, %mul3A_1 : i32
    %jit3A = arith.constant 32 : i32
    %div3A = arith.divsi %mul3A_2, %jit3A : i32
    %sign3A = arith.constant 0 : i32
    %sign3A_3 = arith.cmpi sgt, %mul3A_2, %sign3A : i32
    %sign3A_4 = arith.extui %sign3A_3 : i1 to i32
    %sign3A_5 = arith.constant 0 : i32
    %sign3A_6 = arith.cmpi slt, %mul3A_2, %sign3A_5 : i32
    %sign3A_7 = arith.extui %sign3A_6 : i1 to i32
    %sign3A_8 = arith.subi %sign3A_4, %sign3A_7 : i32
    %sign3A_9 = arith.constant 0 : i32
    %sign3A_10 = arith.cmpi sgt, %jit3A, %sign3A_9 : i32
    %sign3A_11 = arith.extui %sign3A_10 : i1 to i32
    %sign3A_12 = arith.constant 0 : i32
    %sign3A_13 = arith.cmpi slt, %jit3A, %sign3A_12 : i32
    %sign3A_14 = arith.extui %sign3A_13 : i1 to i32
    %sign3A_15 = arith.subi %sign3A_11, %sign3A_14 : i32
    %ne3A = arith.cmpi ne, %sign3A_8, %sign3A_15 : i32
    %rem3A = arith.remsi %mul3A_2, %jit3A : i32
    %ne3A_16 = arith.constant 0 : i32
    %ne3A_17 = arith.cmpi ne, %rem3A, %ne3A_16 : i32
    %and3A = arith.andi %ne3A, %ne3A_17 : i1
    %sub3A = arith.constant 1 : i32
    %sub3A_18 = arith.subi %div3A, %sub3A : i32
    %select_n3A = arith.select %and3A, %sub3A_18, %div3A : i32
    %mul3A_19 = arith.constant 128 : i32
    %mul3A_20 = arith.muli %select_n3A, %mul3A_19 : i32
    %add3A_21 = arith.constant 1 : i32
    %add3A_22 = arith.addi %add3A, %add3A_21 : i32
    %mul3A_23 = arith.constant 20971 : i32
    %mul3A_24 = arith.muli %add3A_22, %mul3A_23 : i32
    %jit3A_25 = arith.constant 32 : i32
    %div3A_26 = arith.divsi %mul3A_24, %jit3A_25 : i32
    %sign3A_27 = arith.constant 0 : i32
    %sign3A_28 = arith.cmpi sgt, %mul3A_24, %sign3A_27 : i32
    %sign3A_29 = arith.extui %sign3A_28 : i1 to i32
    %sign3A_30 = arith.constant 0 : i32
    %sign3A_31 = arith.cmpi slt, %mul3A_24, %sign3A_30 : i32
    %sign3A_32 = arith.extui %sign3A_31 : i1 to i32
    %sign3A_33 = arith.subi %sign3A_29, %sign3A_32 : i32
    %sign3A_34 = arith.constant 0 : i32
    %sign3A_35 = arith.cmpi sgt, %jit3A_25, %sign3A_34 : i32
    %sign3A_36 = arith.extui %sign3A_35 : i1 to i32
    %sign3A_37 = arith.constant 0 : i32
    %sign3A_38 = arith.cmpi slt, %jit3A_25, %sign3A_37 : i32
    %sign3A_39 = arith.extui %sign3A_38 : i1 to i32
    %sign3A_40 = arith.subi %sign3A_36, %sign3A_39 : i32
    %ne3A_41 = arith.cmpi ne, %sign3A_33, %sign3A_40 : i32
    %rem3A_42 = arith.remsi %mul3A_24, %jit3A_25 : i32
    %ne3A_43 = arith.constant 0 : i32
    %ne3A_44 = arith.cmpi ne, %rem3A_42, %ne3A_43 : i32
    %and3A_45 = arith.andi %ne3A_41, %ne3A_44 : i1
    %sub3A_46 = arith.constant 1 : i32
    %sub3A_47 = arith.subi %div3A_26, %sub3A_46 : i32
    %select_n3A_48 = arith.select %and3A_45, %sub3A_47, %div3A_26 : i32
    %mul3A_49 = arith.constant 128 : i32
    %mul3A_50 = arith.muli %select_n3A_48, %mul3A_49 : i32
    %sub3A_51 = arith.subi %mul3A_50, %mul3A_20 : i32
    %sub3A_52 = arith.constant 81920 : i32
    %sub3A_53 = arith.subi %sub3A_51, %sub3A_52 : i32
    %add3A_54 = arith.constant 0 : i32
    %add3A_55 = arith.addi %mul3A_20, %add3A_54 : i32
    %dma_start3A = arith.constant 0 : i32
    %dma_start3A_56 = tpu.memref_slice %arg10[%dma_start3A] : memref<4096xf32, #tpu.memory_space<vmem>> -> memref<4096xf32, #tpu.memory_space<vmem>>
    %dma_start3A_57 = tpu.memref_slice %arg2[%add3A_55] : memref<2684354xf32, #tpu.memory_space<hbm>> -> memref<4096xf32, #tpu.memory_space<hbm>>
    %dma_start3A_58 = arith.constant 0 : i32
    %dma_start3A_59 = tpu.memref_slice %arg10[%dma_start3A_58] : memref<4096xf32, #tpu.memory_space<vmem>> -> memref<4096xf32, #tpu.memory_space<vmem>>
    %dma_start3A_60 = tpu.memref_slice %arg2[%add3A_55] : memref<2684354xf32, #tpu.memory_space<hbm>> -> memref<4096xf32, #tpu.memory_space<hbm>>
    tpu.enqueue_dma source(%dma_start3A_60 : memref<4096xf32, #tpu.memory_space<hbm>>) target(%dma_start3A_59 : memref<4096xf32, #tpu.memory_space<vmem>>) target_semaphore(%arg19 : memref<!tpu.dma_semaphore, #tpu.memory_space<semaphore_mem>>)
    %dma_start3A_61 = arith.constant 0 : i32
    %dma_start3A_62 = arith.constant 0 : i32
    %dma_start3A_63 = tpu.memref_slice %arg12[%dma_start3A_62] : memref<4096xi32, #tpu.memory_space<vmem>> -> memref<4096xi32, #tpu.memory_space<vmem>>
    %dma_start3A_64 = tpu.memref_slice %arg3[%dma_start3A_61, %add3A_55] : memref<2x2684354xi32, #tpu.memory_space<hbm>> -> memref<1x4096xi32, #tpu.memory_space<hbm>>
    %dma_start3A_65 = tpu.memref_squeeze %dma_start3A_64 : memref<1x4096xi32, #tpu.memory_space<hbm>> -> memref<4096xi32, #tpu.memory_space<hbm>>
    %dma_start3A_66 = arith.constant 0 : i32
    %dma_start3A_67 = tpu.memref_slice %arg12[%dma_start3A_66] : memref<4096xi32, #tpu.memory_space<vmem>> -> memref<4096xi32, #tpu.memory_space<vmem>>
    %dma_start3A_68 = tpu.memref_slice %arg3[%dma_start3A_61, %add3A_55] : memref<2x2684354xi32, #tpu.memory_space<hbm>> -> memref<1x4096xi32, #tpu.memory_space<hbm>>
    %dma_start3A_69 = tpu.memref_squeeze %dma_start3A_68 : memref<1x4096xi32, #tpu.memory_space<hbm>> -> memref<4096xi32, #tpu.memory_space<hbm>>
    tpu.enqueue_dma source(%dma_start3A_69 : memref<4096xi32, #tpu.memory_space<hbm>>) target(%dma_start3A_67 : memref<4096xi32, #tpu.memory_space<vmem>>) target_semaphore(%arg19 : memref<!tpu.dma_semaphore, #tpu.memory_space<semaphore_mem>>)
    %dma_start3A_70 = arith.constant 1 : i32
    %dma_start3A_71 = arith.constant 0 : i32
    %dma_start3A_72 = tpu.memref_slice %arg14[%dma_start3A_71] : memref<4096xi32, #tpu.memory_space<vmem>> -> memref<4096xi32, #tpu.memory_space<vmem>>
    %dma_start3A_73 = tpu.memref_slice %arg3[%dma_start3A_70, %add3A_55] : memref<2x2684354xi32, #tpu.memory_space<hbm>> -> memref<1x4096xi32, #tpu.memory_space<hbm>>
    %dma_start3A_74 = tpu.memref_squeeze %dma_start3A_73 : memref<1x4096xi32, #tpu.memory_space<hbm>> -> memref<4096xi32, #tpu.memory_space<hbm>>
    %dma_start3A_75 = arith.constant 0 : i32
    %dma_start3A_76 = tpu.memref_slice %arg14[%dma_start3A_75] : memref<4096xi32, #tpu.memory_space<vmem>> -> memref<4096xi32, #tpu.memory_space<vmem>>
    %dma_start3A_77 = tpu.memref_slice %arg3[%dma_start3A_70, %add3A_55] : memref<2x2684354xi32, #tpu.memory_space<hbm>> -> memref<1x4096xi32, #tpu.memory_space<hbm>>
    %dma_start3A_78 = tpu.memref_squeeze %dma_start3A_77 : memref<1x4096xi32, #tpu.memory_space<hbm>> -> memref<4096xi32, #tpu.memory_space<hbm>>
    tpu.enqueue_dma source(%dma_start3A_78 : memref<4096xi32, #tpu.memory_space<hbm>>) target(%dma_start3A_76 : memref<4096xi32, #tpu.memory_space<vmem>>) target_semaphore(%arg19 : memref<!tpu.dma_semaphore, #tpu.memory_space<semaphore_mem>>)
    tpu.enqueue_dma source(%arg4 : memref<16384xf32, #tpu.memory_space<hbm>>) target(%arg8 : memref<16384xf32, #tpu.memory_space<vmem>>) target_semaphore(%arg20 : memref<!tpu.dma_semaphore, #tpu.memory_space<semaphore_mem>>)
    %parallel_loop3A = arith.constant 0 : i32
    %parallel_loop3A_79 = arith.constant 1024 : i32
    %parallel_loop3A_80 = arith.constant 1 : i32
    scf.for %parallel_loop3A_200 = %parallel_loop3A to %parallel_loop3A_79 step %parallel_loop3A_80  : i32 {
      %parallel_loop3A_201 = arith.constant 0.000000e+00 : f32
      %parallel_loop3A_202 = vector.broadcast %parallel_loop3A_201 : f32 to vector<16xf32>
      %parallel_loop3A_203 = arith.constant 16 : i32
      %parallel_loop3A_204 = arith.muli %parallel_loop3A_200, %parallel_loop3A_203 : i32
      %parallel_loop3A_205 = arith.index_cast %parallel_loop3A_204 : i32 to index
      %parallel_loop3A_206 = tpu.vector_load %arg9[%parallel_loop3A_205] {strides = array<i32>} : memref<16384xf32, #tpu.memory_space<vmem>>, vector<16xf32>,
      tpu.vector_store %arg9[%parallel_loop3A_205], %parallel_loop3A_202 {strides = array<i32>} : memref<16384xf32, #tpu.memory_space<vmem>>, vector<16xf32>,
    } {sc.loop_unroll_factor = 8 : i64, sc.parallel_access}
    tpu.wait_dma2 semaphore(%arg20 : memref<!tpu.dma_semaphore, #tpu.memory_space<semaphore_mem>>) src(%arg4 : memref<16384xf32, #tpu.memory_space<hbm>>) dst(%arg8 : memref<16384xf32, #tpu.memory_space<vmem>>)
    %scan3A = arith.constant 0 : i32
    %scan3A_81 = arith.constant 0 : i32
    %scan3A_82 = arith.constant 9 : i32
    %scan3A_83 = arith.addi %scan3A_81, %scan3A_82 : i32
    %scan3A_84 = arith.constant 1 : i32
    %scan3A_85 = scf.for %scan3A_200 = %scan3A_81 to %scan3A_83 step %scan3A_84 iter_args(%scan3A_201 = %scan3A) -> (i32)  : i32 {
      %mul3A_202 = arith.constant 2 : i32
      %mul3A_203 = arith.muli %scan3A_200, %mul3A_202 : i32
      %add3A_204 = arith.constant 0 : i32
      %add3A_205 = arith.addi %mul3A_203, %add3A_204 : i32
      %add3A_206 = arith.constant 1 : i32
      %add3A_207 = arith.addi %add3A_205, %add3A_206 : i32
      %mul3A_208 = arith.constant 4096 : i32
      %mul3A_209 = arith.muli %add3A_207, %mul3A_208 : i32
      %add3A_210 = arith.addi %mul3A_20, %mul3A_209 : i32
      %dma_start3A_211 = arith.constant 0 : i32
      %dma_start3A_212 = tpu.memref_slice %arg11[%dma_start3A_211] : memref<4096xf32, #tpu.memory_space<vmem>> -> memref<4096xf32, #tpu.memory_space<vmem>>
      %dma_start3A_213 = tpu.memref_slice %arg2[%add3A_210] : memref<2684354xf32, #tpu.memory_space<hbm>> -> memref<4096xf32, #tpu.memory_space<hbm>>
      %dma_start3A_214 = arith.constant 0 : i32
      %dma_start3A_215 = tpu.memref_slice %arg11[%dma_start3A_214] : memref<4096xf32, #tpu.memory_space<vmem>> -> memref<4096xf32, #tpu.memory_space<vmem>>
      %dma_start3A_216 = tpu.memref_slice %arg2[%add3A_210] : memref<2684354xf32, #tpu.memory_space<hbm>> -> memref<4096xf32, #tpu.memory_space<hbm>>
      tpu.enqueue_dma source(%dma_start3A_216 : memref<4096xf32, #tpu.memory_space<hbm>>) target(%dma_start3A_215 : memref<4096xf32, #tpu.memory_space<vmem>>) target_semaphore(%arg20 : memref<!tpu.dma_semaphore, #tpu.memory_space<semaphore_mem>>)
      %dma_start3A_217 = arith.constant 0 : i32
      %dma_start3A_218 = arith.constant 0 : i32
      %dma_start3A_219 = tpu.memref_slice %arg13[%dma_start3A_218] : memref<4096xi32, #tpu.memory_space<vmem>> -> memref<4096xi32, #tpu.memory_space<vmem>>
      %dma_start3A_220 = tpu.memref_slice %arg3[%dma_start3A_217, %add3A_210] : memref<2x2684354xi32, #tpu.memory_space<hbm>> -> memref<1x4096xi32, #tpu.memory_space<hbm>>
      %dma_start3A_221 = tpu.memref_squeeze %dma_start3A_220 : memref<1x4096xi32, #tpu.memory_space<hbm>> -> memref<4096xi32, #tpu.memory_space<hbm>>
      %dma_start3A_222 = arith.constant 0 : i32
      %dma_start3A_223 = tpu.memref_slice %arg13[%dma_start3A_222] : memref<4096xi32, #tpu.memory_space<vmem>> -> memref<4096xi32, #tpu.memory_space<vmem>>
      %dma_start3A_224 = tpu.memref_slice %arg3[%dma_start3A_217, %add3A_210] : memref<2x2684354xi32, #tpu.memory_space<hbm>> -> memref<1x4096xi32, #tpu.memory_space<hbm>>
      %dma_start3A_225 = tpu.memref_squeeze %dma_start3A_224 : memref<1x4096xi32, #tpu.memory_space<hbm>> -> memref<4096xi32, #tpu.memory_space<hbm>>
      tpu.enqueue_dma source(%dma_start3A_225 : memref<4096xi32, #tpu.memory_space<hbm>>) target(%dma_start3A_223 : memref<4096xi32, #tpu.memory_space<vmem>>) target_semaphore(%arg20 : memref<!tpu.dma_semaphore, #tpu.memory_space<semaphore_mem>>)
      %dma_start3A_226 = arith.constant 1 : i32
      %dma_start3A_227 = arith.constant 0 : i32
      %dma_start3A_228 = tpu.memref_slice %arg15[%dma_start3A_227] : memref<4096xi32, #tpu.memory_space<vmem>> -> memref<4096xi32, #tpu.memory_space<vmem>>
      %dma_start3A_229 = tpu.memref_slice %arg3[%dma_start3A_226, %add3A_210] : memref<2x2684354xi32, #tpu.memory_space<hbm>> -> memref<1x4096xi32, #tpu.memory_space<hbm>>
      %dma_start3A_230 = tpu.memref_squeeze %dma_start3A_229 : memref<1x4096xi32, #tpu.memory_space<hbm>> -> memref<4096xi32, #tpu.memory_space<hbm>>
      %dma_start3A_231 = arith.constant 0 : i32
      %dma_start3A_232 = tpu.memref_slice %arg15[%dma_start3A_231] : memref<4096xi32, #tpu.memory_space<vmem>> -> memref<4096xi32, #tpu.memory_space<vmem>>
      %dma_start3A_233 = tpu.memref_slice %arg3[%dma_start3A_226, %add3A_210] : memref<2x2684354xi32, #tpu.memory_space<hbm>> -> memref<1x4096xi32, #tpu.memory_space<hbm>>
      %dma_start3A_234 = tpu.memref_squeeze %dma_start3A_233 : memref<1x4096xi32, #tpu.memory_space<hbm>> -> memref<4096xi32, #tpu.memory_space<hbm>>
      tpu.enqueue_dma source(%dma_start3A_234 : memref<4096xi32, #tpu.memory_space<hbm>>) target(%dma_start3A_232 : memref<4096xi32, #tpu.memory_space<vmem>>) target_semaphore(%arg20 : memref<!tpu.dma_semaphore, #tpu.memory_space<semaphore_mem>>)
      %dma_wait3A_235 = arith.constant 0 : i32
      %dma_wait3A_236 = tpu.memref_slice %arg10[%dma_wait3A_235] : memref<4096xf32, #tpu.memory_space<vmem>> -> memref<4096xf32, #tpu.memory_space<vmem>>
      %dma_wait3A_237 = arith.constant 0 : i32
      %dma_wait3A_238 = tpu.memref_slice %arg2[%dma_wait3A_237] : memref<2684354xf32, #tpu.memory_space<hbm>> -> memref<4096xf32, #tpu.memory_space<hbm>>
      %dma_wait3A_239 = arith.constant 0 : i32
      %dma_wait3A_240 = tpu.memref_slice %arg10[%dma_wait3A_239] : memref<4096xf32, #tpu.memory_space<vmem>> -> memref<4096xf32, #tpu.memory_space<vmem>>
      %dma_wait3A_241 = arith.constant 0 : i32
      %dma_wait3A_242 = tpu.memref_slice %arg2[%dma_wait3A_241] : memref<2684354xf32, #tpu.memory_space<hbm>> -> memref<4096xf32, #tpu.memory_space<hbm>>
      tpu.wait_dma2 semaphore(%arg19 : memref<!tpu.dma_semaphore, #tpu.memory_space<semaphore_mem>>) src(%dma_wait3A_242 : memref<4096xf32, #tpu.memory_space<hbm>>) dst(%dma_wait3A_240 : memref<4096xf32, #tpu.memory_space<vmem>>)
      %dma_wait3A_243 = arith.constant 0 : i32
      %dma_wait3A_244 = arith.constant 0 : i32
      %dma_wait3A_245 = tpu.memref_slice %arg12[%dma_wait3A_244] : memref<4096xi32, #tpu.memory_space<vmem>> -> memref<4096xi32, #tpu.memory_space<vmem>>
      %dma_wait3A_246 = arith.constant 0 : i32
      %dma_wait3A_247 = tpu.memref_slice %arg3[%dma_wait3A_243, %dma_wait3A_246] : memref<2x2684354xi32, #tpu.memory_space<hbm>> -> memref<1x4096xi32, #tpu.memory_space<hbm>>
      %dma_wait3A_248 = tpu.memref_squeeze %dma_wait3A_247 : memref<1x4096xi32, #tpu.memory_space<hbm>> -> memref<4096xi32, #tpu.memory_space<hbm>>
      %dma_wait3A_249 = arith.constant 0 : i32
      %dma_wait3A_250 = tpu.memref_slice %arg12[%dma_wait3A_249] : memref<4096xi32, #tpu.memory_space<vmem>> -> memref<4096xi32, #tpu.memory_space<vmem>>
      %dma_wait3A_251 = arith.constant 0 : i32
      %dma_wait3A_252 = tpu.memref_slice %arg3[%dma_wait3A_243, %dma_wait3A_251] : memref<2x2684354xi32, #tpu.memory_space<hbm>> -> memref<1x4096xi32, #tpu.memory_space<hbm>>
      %dma_wait3A_253 = tpu.memref_squeeze %dma_wait3A_252 : memref<1x4096xi32, #tpu.memory_space<hbm>> -> memref<4096xi32, #tpu.memory_space<hbm>>
      tpu.wait_dma2 semaphore(%arg19 : memref<!tpu.dma_semaphore, #tpu.memory_space<semaphore_mem>>) src(%dma_wait3A_253 : memref<4096xi32, #tpu.memory_space<hbm>>) dst(%dma_wait3A_250 : memref<4096xi32, #tpu.memory_space<vmem>>)
      %dma_wait3A_254 = arith.constant 1 : i32
      %dma_wait3A_255 = arith.constant 0 : i32
      %dma_wait3A_256 = tpu.memref_slice %arg14[%dma_wait3A_255] : memref<4096xi32, #tpu.memory_space<vmem>> -> memref<4096xi32, #tpu.memory_space<vmem>>
      %dma_wait3A_257 = arith.constant 0 : i32
      %dma_wait3A_258 = tpu.memref_slice %arg3[%dma_wait3A_254, %dma_wait3A_257] : memref<2x2684354xi32, #tpu.memory_space<hbm>> -> memref<1x4096xi32, #tpu.memory_space<hbm>>
      %dma_wait3A_259 = tpu.memref_squeeze %dma_wait3A_258 : memref<1x4096xi32, #tpu.memory_space<hbm>> -> memref<4096xi32, #tpu.memory_space<hbm>>
      %dma_wait3A_260 = arith.constant 0 : i32
      %dma_wait3A_261 = tpu.memref_slice %arg14[%dma_wait3A_260] : memref<4096xi32, #tpu.memory_space<vmem>> -> memref<4096xi32, #tpu.memory_space<vmem>>
      %dma_wait3A_262 = arith.constant 0 : i32
      %dma_wait3A_263 = tpu.memref_slice %arg3[%dma_wait3A_254, %dma_wait3A_262] : memref<2x2684354xi32, #tpu.memory_space<hbm>> -> memref<1x4096xi32, #tpu.memory_space<hbm>>
      %dma_wait3A_264 = tpu.memref_squeeze %dma_wait3A_263 : memref<1x4096xi32, #tpu.memory_space<hbm>> -> memref<4096xi32, #tpu.memory_space<hbm>>
      tpu.wait_dma2 semaphore(%arg19 : memref<!tpu.dma_semaphore, #tpu.memory_space<semaphore_mem>>) src(%dma_wait3A_264 : memref<4096xi32, #tpu.memory_space<hbm>>) dst(%dma_wait3A_261 : memref<4096xi32, #tpu.memory_space<vmem>>)
      %parallel_loop3A_265 = arith.constant 0 : i32
      %parallel_loop3A_266 = arith.constant 256 : i32
      %parallel_loop3A_267 = arith.constant 1 : i32
      scf.for %parallel_loop3A_335 = %parallel_loop3A_265 to %parallel_loop3A_266 step %parallel_loop3A_267  : i32 {
        %parallel_loop3A_336 = arith.constant 16 : i32
        %parallel_loop3A_337 = arith.muli %parallel_loop3A_335, %parallel_loop3A_336 : i32
        %parallel_loop3A_338 = arith.index_cast %parallel_loop3A_337 : i32 to index
        %parallel_loop3A_339 = tpu.vector_load %arg12[%parallel_loop3A_338] {strides = array<i32>} : memref<4096xi32, #tpu.memory_space<vmem>>, vector<16xi32>,
        %parallel_loop3A_340 = arith.index_cast %parallel_loop3A_337 : i32 to index
        %parallel_loop3A_341 = tpu.vector_load %arg14[%parallel_loop3A_340] {strides = array<i32>} : memref<4096xi32, #tpu.memory_space<vmem>>, vector<16xi32>,
        %parallel_loop3A_342 = arith.index_cast %parallel_loop3A_337 : i32 to index
        %parallel_loop3A_343 = tpu.vector_load %arg10[%parallel_loop3A_342] {strides = array<i32>} : memref<4096xf32, #tpu.memory_space<vmem>>, vector<16xf32>,
        %parallel_loop3A_344 = tpu.vector_load_idx %arg8[%parallel_loop3A_341] : memref<16384xf32, #tpu.memory_space<vmem>>[vector<16xi32>], vector<16xf32>,
        %parallel_loop3A_345 = arith.mulf %parallel_loop3A_343, %parallel_loop3A_344 : vector<16xf32>
        tpu.vector_store_idx %arg9[%parallel_loop3A_339], %parallel_loop3A_345 {add = true} : memref<16384xf32, #tpu.memory_space<vmem>>[vector<16xi32>], vector<16xf32>,
      } {sc.loop_unroll_factor = 8 : i64, sc.parallel_access}
      %mul3A_268 = arith.constant 2 : i32
      %mul3A_269 = arith.muli %scan3A_200, %mul3A_268 : i32
      %add3A_270 = arith.constant 1 : i32
      %add3A_271 = arith.addi %mul3A_269, %add3A_270 : i32
      %add3A_272 = arith.constant 1 : i32
      %add3A_273 = arith.addi %add3A_271, %add3A_272 : i32
      %mul3A_274 = arith.constant 4096 : i32
      %mul3A_275 = arith.muli %add3A_273, %mul3A_274 : i32
      %add3A_276 = arith.addi %mul3A_20, %mul3A_275 : i32
      %dma_start3A_277 = arith.constant 0 : i32
      %dma_start3A_278 = tpu.memref_slice %arg10[%dma_start3A_277] : memref<4096xf32, #tpu.memory_space<vmem>> -> memref<4096xf32, #tpu.memory_space<vmem>>
      %dma_start3A_279 = tpu.memref_slice %arg2[%add3A_276] : memref<2684354xf32, #tpu.memory_space<hbm>> -> memref<4096xf32, #tpu.memory_space<hbm>>
      %dma_start3A_280 = arith.constant 0 : i32
      %dma_start3A_281 = tpu.memref_slice %arg10[%dma_start3A_280] : memref<4096xf32, #tpu.memory_space<vmem>> -> memref<4096xf32, #tpu.memory_space<vmem>>
      %dma_start3A_282 = tpu.memref_slice %arg2[%add3A_276] : memref<2684354xf32, #tpu.memory_space<hbm>> -> memref<4096xf32, #tpu.memory_space<hbm>>
      tpu.enqueue_dma source(%dma_start3A_282 : memref<4096xf32, #tpu.memory_space<hbm>>) target(%dma_start3A_281 : memref<4096xf32, #tpu.memory_space<vmem>>) target_semaphore(%arg19 : memref<!tpu.dma_semaphore, #tpu.memory_space<semaphore_mem>>)
      %dma_start3A_283 = arith.constant 0 : i32
      %dma_start3A_284 = arith.constant 0 : i32
      %dma_start3A_285 = tpu.memref_slice %arg12[%dma_start3A_284] : memref<4096xi32, #tpu.memory_space<vmem>> -> memref<4096xi32, #tpu.memory_space<vmem>>
      %dma_start3A_286 = tpu.memref_slice %arg3[%dma_start3A_283, %add3A_276] : memref<2x2684354xi32, #tpu.memory_space<hbm>> -> memref<1x4096xi32, #tpu.memory_space<hbm>>
      %dma_start3A_287 = tpu.memref_squeeze %dma_start3A_286 : memref<1x4096xi32, #tpu.memory_space<hbm>> -> memref<4096xi32, #tpu.memory_space<hbm>>
      %dma_start3A_288 = arith.constant 0 : i32
      %dma_start3A_289 = tpu.memref_slice %arg12[%dma_start3A_288] : memref<4096xi32, #tpu.memory_space<vmem>> -> memref<4096xi32, #tpu.memory_space<vmem>>
      %dma_start3A_290 = tpu.memref_slice %arg3[%dma_start3A_283, %add3A_276] : memref<2x2684354xi32, #tpu.memory_space<hbm>> -> memref<1x4096xi32, #tpu.memory_space<hbm>>
      %dma_start3A_291 = tpu.memref_squeeze %dma_start3A_290 : memref<1x4096xi32, #tpu.memory_space<hbm>> -> memref<4096xi32, #tpu.memory_space<hbm>>
      tpu.enqueue_dma source(%dma_start3A_291 : memref<4096xi32, #tpu.memory_space<hbm>>) target(%dma_start3A_289 : memref<4096xi32, #tpu.memory_space<vmem>>) target_semaphore(%arg19 : memref<!tpu.dma_semaphore, #tpu.memory_space<semaphore_mem>>)
      %dma_start3A_292 = arith.constant 1 : i32
      %dma_start3A_293 = arith.constant 0 : i32
      %dma_start3A_294 = tpu.memref_slice %arg14[%dma_start3A_293] : memref<4096xi32, #tpu.memory_space<vmem>> -> memref<4096xi32, #tpu.memory_space<vmem>>
      %dma_start3A_295 = tpu.memref_slice %arg3[%dma_start3A_292, %add3A_276] : memref<2x2684354xi32, #tpu.memory_space<hbm>> -> memref<1x4096xi32, #tpu.memory_space<hbm>>
      %dma_start3A_296 = tpu.memref_squeeze %dma_start3A_295 : memref<1x4096xi32, #tpu.memory_space<hbm>> -> memref<4096xi32, #tpu.memory_space<hbm>>
      %dma_start3A_297 = arith.constant 0 : i32
      %dma_start3A_298 = tpu.memref_slice %arg14[%dma_start3A_297] : memref<4096xi32, #tpu.memory_space<vmem>> -> memref<4096xi32, #tpu.memory_space<vmem>>
      %dma_start3A_299 = tpu.memref_slice %arg3[%dma_start3A_292, %add3A_276] : memref<2x2684354xi32, #tpu.memory_space<hbm>> -> memref<1x4096xi32, #tpu.memory_space<hbm>>
      %dma_start3A_300 = tpu.memref_squeeze %dma_start3A_299 : memref<1x4096xi32, #tpu.memory_space<hbm>> -> memref<4096xi32, #tpu.memory_space<hbm>>
      tpu.enqueue_dma source(%dma_start3A_300 : memref<4096xi32, #tpu.memory_space<hbm>>) target(%dma_start3A_298 : memref<4096xi32, #tpu.memory_space<vmem>>) target_semaphore(%arg19 : memref<!tpu.dma_semaphore, #tpu.memory_space<semaphore_mem>>)
      %dma_wait3A_301 = arith.constant 0 : i32
      %dma_wait3A_302 = tpu.memref_slice %arg11[%dma_wait3A_301] : memref<4096xf32, #tpu.memory_space<vmem>> -> memref<4096xf32, #tpu.memory_space<vmem>>
      %dma_wait3A_303 = arith.constant 0 : i32
      %dma_wait3A_304 = tpu.memref_slice %arg2[%dma_wait3A_303] : memref<2684354xf32, #tpu.memory_space<hbm>> -> memref<4096xf32, #tpu.memory_space<hbm>>
      %dma_wait3A_305 = arith.constant 0 : i32
      %dma_wait3A_306 = tpu.memref_slice %arg11[%dma_wait3A_305] : memref<4096xf32, #tpu.memory_space<vmem>> -> memref<4096xf32, #tpu.memory_space<vmem>>
      %dma_wait3A_307 = arith.constant 0 : i32
      %dma_wait3A_308 = tpu.memref_slice %arg2[%dma_wait3A_307] : memref<2684354xf32, #tpu.memory_space<hbm>> -> memref<4096xf32, #tpu.memory_space<hbm>>
      tpu.wait_dma2 semaphore(%arg20 : memref<!tpu.dma_semaphore, #tpu.memory_space<semaphore_mem>>) src(%dma_wait3A_308 : memref<4096xf32, #tpu.memory_space<hbm>>) dst(%dma_wait3A_306 : memref<4096xf32, #tpu.memory_space<vmem>>)
      %dma_wait3A_309 = arith.constant 0 : i32
      %dma_wait3A_310 = arith.constant 0 : i32
      %dma_wait3A_311 = tpu.memref_slice %arg13[%dma_wait3A_310] : memref<4096xi32, #tpu.memory_space<vmem>> -> memref<4096xi32, #tpu.memory_space<vmem>>
      %dma_wait3A_312 = arith.constant 0 : i32
      %dma_wait3A_313 = tpu.memref_slice %arg3[%dma_wait3A_309, %dma_wait3A_312] : memref<2x2684354xi32, #tpu.memory_space<hbm>> -> memref<1x4096xi32, #tpu.memory_space<hbm>>
      %dma_wait3A_314 = tpu.memref_squeeze %dma_wait3A_313 : memref<1x4096xi32, #tpu.memory_space<hbm>> -> memref<4096xi32, #tpu.memory_space<hbm>>
      %dma_wait3A_315 = arith.constant 0 : i32
      %dma_wait3A_316 = tpu.memref_slice %arg13[%dma_wait3A_315] : memref<4096xi32, #tpu.memory_space<vmem>> -> memref<4096xi32, #tpu.memory_space<vmem>>
      %dma_wait3A_317 = arith.constant 0 : i32
      %dma_wait3A_318 = tpu.memref_slice %arg3[%dma_wait3A_309, %dma_wait3A_317] : memref<2x2684354xi32, #tpu.memory_space<hbm>> -> memref<1x4096xi32, #tpu.memory_space<hbm>>
      %dma_wait3A_319 = tpu.memref_squeeze %dma_wait3A_318 : memref<1x4096xi32, #tpu.memory_space<hbm>> -> memref<4096xi32, #tpu.memory_space<hbm>>
      tpu.wait_dma2 semaphore(%arg20 : memref<!tpu.dma_semaphore, #tpu.memory_space<semaphore_mem>>) src(%dma_wait3A_319 : memref<4096xi32, #tpu.memory_space<hbm>>) dst(%dma_wait3A_316 : memref<4096xi32, #tpu.memory_space<vmem>>)
      %dma_wait3A_320 = arith.constant 1 : i32
      %dma_wait3A_321 = arith.constant 0 : i32
      %dma_wait3A_322 = tpu.memref_slice %arg15[%dma_wait3A_321] : memref<4096xi32, #tpu.memory_space<vmem>> -> memref<4096xi32, #tpu.memory_space<vmem>>
      %dma_wait3A_323 = arith.constant 0 : i32
      %dma_wait3A_324 = tpu.memref_slice %arg3[%dma_wait3A_320, %dma_wait3A_323] : memref<2x2684354xi32, #tpu.memory_space<hbm>> -> memref<1x4096xi32, #tpu.memory_space<hbm>>
      %dma_wait3A_325 = tpu.memref_squeeze %dma_wait3A_324 : memref<1x4096xi32, #tpu.memory_space<hbm>> -> memref<4096xi32, #tpu.memory_space<hbm>>
      %dma_wait3A_326 = arith.constant 0 : i32
      %dma_wait3A_327 = tpu.memref_slice %arg15[%dma_wait3A_326] : memref<4096xi32, #tpu.memory_space<vmem>> -> memref<4096xi32, #tpu.memory_space<vmem>>
      %dma_wait3A_328 = arith.constant 0 : i32
      %dma_wait3A_329 = tpu.memref_slice %arg3[%dma_wait3A_320, %dma_wait3A_328] : memref<2x2684354xi32, #tpu.memory_space<hbm>> -> memref<1x4096xi32, #tpu.memory_space<hbm>>
      %dma_wait3A_330 = tpu.memref_squeeze %dma_wait3A_329 : memref<1x4096xi32, #tpu.memory_space<hbm>> -> memref<4096xi32, #tpu.memory_space<hbm>>
      tpu.wait_dma2 semaphore(%arg20 : memref<!tpu.dma_semaphore, #tpu.memory_space<semaphore_mem>>) src(%dma_wait3A_330 : memref<4096xi32, #tpu.memory_space<hbm>>) dst(%dma_wait3A_327 : memref<4096xi32, #tpu.memory_space<vmem>>)
      %parallel_loop3A_331 = arith.constant 0 : i32
      %parallel_loop3A_332 = arith.constant 256 : i32
      %parallel_loop3A_333 = arith.constant 1 : i32
      scf.for %parallel_loop3A_335 = %parallel_loop3A_331 to %parallel_loop3A_332 step %parallel_loop3A_333  : i32 {
        %parallel_loop3A_336 = arith.constant 16 : i32
        %parallel_loop3A_337 = arith.muli %parallel_loop3A_335, %parallel_loop3A_336 : i32
        %parallel_loop3A_338 = arith.index_cast %parallel_loop3A_337 : i32 to index
        %parallel_loop3A_339 = tpu.vector_load %arg13[%parallel_loop3A_338] {strides = array<i32>} : memref<4096xi32, #tpu.memory_space<vmem>>, vector<16xi32>,
        %parallel_loop3A_340 = arith.index_cast %parallel_loop3A_337 : i32 to index
        %parallel_loop3A_341 = tpu.vector_load %arg15[%parallel_loop3A_340] {strides = array<i32>} : memref<4096xi32, #tpu.memory_space<vmem>>, vector<16xi32>,
        %parallel_loop3A_342 = arith.index_cast %parallel_loop3A_337 : i32 to index
        %parallel_loop3A_343 = tpu.vector_load %arg11[%parallel_loop3A_342] {strides = array<i32>} : memref<4096xf32, #tpu.memory_space<vmem>>, vector<16xf32>,
        %parallel_loop3A_344 = tpu.vector_load_idx %arg8[%parallel_loop3A_341] : memref<16384xf32, #tpu.memory_space<vmem>>[vector<16xi32>], vector<16xf32>,
        %parallel_loop3A_345 = arith.mulf %parallel_loop3A_343, %parallel_loop3A_344 : vector<16xf32>
        tpu.vector_store_idx %arg9[%parallel_loop3A_339], %parallel_loop3A_345 {add = true} : memref<16384xf32, #tpu.memory_space<vmem>>[vector<16xi32>], vector<16xf32>,
      } {sc.loop_unroll_factor = 8 : i64, sc.parallel_access}
      %scan3A_334 = arith.constant 0 : i32
      scf.yield %scan3A_334 : i32
    }
    %scan3A_86 = arith.constant 9 : i32
    %add3A_87 = arith.constant 77824 : i32
    %add3A_88 = arith.addi %mul3A_20, %add3A_87 : i32
    %dma_start3A_89 = arith.constant 0 : i32
    %dma_start3A_90 = tpu.memref_slice %arg11[%dma_start3A_89] : memref<4096xf32, #tpu.memory_space<vmem>> -> memref<4096xf32, #tpu.memory_space<vmem>>
    %dma_start3A_91 = tpu.memref_slice %arg2[%add3A_88] : memref<2684354xf32, #tpu.memory_space<hbm>> -> memref<4096xf32, #tpu.memory_space<hbm>>
    %dma_start3A_92 = arith.constant 0 : i32
    %dma_start3A_93 = tpu.memref_slice %arg11[%dma_start3A_92] : memref<4096xf32, #tpu.memory_space<vmem>> -> memref<4096xf32, #tpu.memory_space<vmem>>
    %dma_start3A_94 = tpu.memref_slice %arg2[%add3A_88] : memref<2684354xf32, #tpu.memory_space<hbm>> -> memref<4096xf32, #tpu.memory_space<hbm>>
    tpu.enqueue_dma source(%dma_start3A_94 : memref<4096xf32, #tpu.memory_space<hbm>>) target(%dma_start3A_93 : memref<4096xf32, #tpu.memory_space<vmem>>) target_semaphore(%arg20 : memref<!tpu.dma_semaphore, #tpu.memory_space<semaphore_mem>>)
    %dma_start3A_95 = arith.constant 0 : i32
    %dma_start3A_96 = arith.constant 0 : i32
    %dma_start3A_97 = tpu.memref_slice %arg13[%dma_start3A_96] : memref<4096xi32, #tpu.memory_space<vmem>> -> memref<4096xi32, #tpu.memory_space<vmem>>
    %dma_start3A_98 = tpu.memref_slice %arg3[%dma_start3A_95, %add3A_88] : memref<2x2684354xi32, #tpu.memory_space<hbm>> -> memref<1x4096xi32, #tpu.memory_space<hbm>>
    %dma_start3A_99 = tpu.memref_squeeze %dma_start3A_98 : memref<1x4096xi32, #tpu.memory_space<hbm>> -> memref<4096xi32, #tpu.memory_space<hbm>>
    %dma_start3A_100 = arith.constant 0 : i32
    %dma_start3A_101 = tpu.memref_slice %arg13[%dma_start3A_100] : memref<4096xi32, #tpu.memory_space<vmem>> -> memref<4096xi32, #tpu.memory_space<vmem>>
    %dma_start3A_102 = tpu.memref_slice %arg3[%dma_start3A_95, %add3A_88] : memref<2x2684354xi32, #tpu.memory_space<hbm>> -> memref<1x4096xi32, #tpu.memory_space<hbm>>
    %dma_start3A_103 = tpu.memref_squeeze %dma_start3A_102 : memref<1x4096xi32, #tpu.memory_space<hbm>> -> memref<4096xi32, #tpu.memory_space<hbm>>
    tpu.enqueue_dma source(%dma_start3A_103 : memref<4096xi32, #tpu.memory_space<hbm>>) target(%dma_start3A_101 : memref<4096xi32, #tpu.memory_space<vmem>>) target_semaphore(%arg20 : memref<!tpu.dma_semaphore, #tpu.memory_space<semaphore_mem>>)
    %dma_start3A_104 = arith.constant 1 : i32
    %dma_start3A_105 = arith.constant 0 : i32
    %dma_start3A_106 = tpu.memref_slice %arg15[%dma_start3A_105] : memref<4096xi32, #tpu.memory_space<vmem>> -> memref<4096xi32, #tpu.memory_space<vmem>>
    %dma_start3A_107 = tpu.memref_slice %arg3[%dma_start3A_104, %add3A_88] : memref<2x2684354xi32, #tpu.memory_space<hbm>> -> memref<1x4096xi32, #tpu.memory_space<hbm>>
    %dma_start3A_108 = tpu.memref_squeeze %dma_start3A_107 : memref<1x4096xi32, #tpu.memory_space<hbm>> -> memref<4096xi32, #tpu.memory_space<hbm>>
    %dma_start3A_109 = arith.constant 0 : i32
    %dma_start3A_110 = tpu.memref_slice %arg15[%dma_start3A_109] : memref<4096xi32, #tpu.memory_space<vmem>> -> memref<4096xi32, #tpu.memory_space<vmem>>
    %dma_start3A_111 = tpu.memref_slice %arg3[%dma_start3A_104, %add3A_88] : memref<2x2684354xi32, #tpu.memory_space<hbm>> -> memref<1x4096xi32, #tpu.memory_space<hbm>>
    %dma_start3A_112 = tpu.memref_squeeze %dma_start3A_111 : memref<1x4096xi32, #tpu.memory_space<hbm>> -> memref<4096xi32, #tpu.memory_space<hbm>>
    tpu.enqueue_dma source(%dma_start3A_112 : memref<4096xi32, #tpu.memory_space<hbm>>) target(%dma_start3A_110 : memref<4096xi32, #tpu.memory_space<vmem>>) target_semaphore(%arg20 : memref<!tpu.dma_semaphore, #tpu.memory_space<semaphore_mem>>)
    %dma_wait3A = arith.constant 0 : i32
    %dma_wait3A_113 = tpu.memref_slice %arg10[%dma_wait3A] : memref<4096xf32, #tpu.memory_space<vmem>> -> memref<4096xf32, #tpu.memory_space<vmem>>
    %dma_wait3A_114 = arith.constant 0 : i32
    %dma_wait3A_115 = tpu.memref_slice %arg2[%dma_wait3A_114] : memref<2684354xf32, #tpu.memory_space<hbm>> -> memref<4096xf32, #tpu.memory_space<hbm>>
    %dma_wait3A_116 = arith.constant 0 : i32
    %dma_wait3A_117 = tpu.memref_slice %arg10[%dma_wait3A_116] : memref<4096xf32, #tpu.memory_space<vmem>> -> memref<4096xf32, #tpu.memory_space<vmem>>
    %dma_wait3A_118 = arith.constant 0 : i32
    %dma_wait3A_119 = tpu.memref_slice %arg2[%dma_wait3A_118] : memref<2684354xf32, #tpu.memory_space<hbm>> -> memref<4096xf32, #tpu.memory_space<hbm>>
    tpu.wait_dma2 semaphore(%arg19 : memref<!tpu.dma_semaphore, #tpu.memory_space<semaphore_mem>>) src(%dma_wait3A_119 : memref<4096xf32, #tpu.memory_space<hbm>>) dst(%dma_wait3A_117 : memref<4096xf32, #tpu.memory_space<vmem>>)
    %dma_wait3A_120 = arith.constant 0 : i32
    %dma_wait3A_121 = arith.constant 0 : i32
    %dma_wait3A_122 = tpu.memref_slice %arg12[%dma_wait3A_121] : memref<4096xi32, #tpu.memory_space<vmem>> -> memref<4096xi32, #tpu.memory_space<vmem>>
    %dma_wait3A_123 = arith.constant 0 : i32
    %dma_wait3A_124 = tpu.memref_slice %arg3[%dma_wait3A_120, %dma_wait3A_123] : memref<2x2684354xi32, #tpu.memory_space<hbm>> -> memref<1x4096xi32, #tpu.memory_space<hbm>>
    %dma_wait3A_125 = tpu.memref_squeeze %dma_wait3A_124 : memref<1x4096xi32, #tpu.memory_space<hbm>> -> memref<4096xi32, #tpu.memory_space<hbm>>
    %dma_wait3A_126 = arith.constant 0 : i32
    %dma_wait3A_127 = tpu.memref_slice %arg12[%dma_wait3A_126] : memref<4096xi32, #tpu.memory_space<vmem>> -> memref<4096xi32, #tpu.memory_space<vmem>>
    %dma_wait3A_128 = arith.constant 0 : i32
    %dma_wait3A_129 = tpu.memref_slice %arg3[%dma_wait3A_120, %dma_wait3A_128] : memref<2x2684354xi32, #tpu.memory_space<hbm>> -> memref<1x4096xi32, #tpu.memory_space<hbm>>
    %dma_wait3A_130 = tpu.memref_squeeze %dma_wait3A_129 : memref<1x4096xi32, #tpu.memory_space<hbm>> -> memref<4096xi32, #tpu.memory_space<hbm>>
    tpu.wait_dma2 semaphore(%arg19 : memref<!tpu.dma_semaphore, #tpu.memory_space<semaphore_mem>>) src(%dma_wait3A_130 : memref<4096xi32, #tpu.memory_space<hbm>>) dst(%dma_wait3A_127 : memref<4096xi32, #tpu.memory_space<vmem>>)
    %dma_wait3A_131 = arith.constant 1 : i32
    %dma_wait3A_132 = arith.constant 0 : i32
    %dma_wait3A_133 = tpu.memref_slice %arg14[%dma_wait3A_132] : memref<4096xi32, #tpu.memory_space<vmem>> -> memref<4096xi32, #tpu.memory_space<vmem>>
    %dma_wait3A_134 = arith.constant 0 : i32
    %dma_wait3A_135 = tpu.memref_slice %arg3[%dma_wait3A_131, %dma_wait3A_134] : memref<2x2684354xi32, #tpu.memory_space<hbm>> -> memref<1x4096xi32, #tpu.memory_space<hbm>>
    %dma_wait3A_136 = tpu.memref_squeeze %dma_wait3A_135 : memref<1x4096xi32, #tpu.memory_space<hbm>> -> memref<4096xi32, #tpu.memory_space<hbm>>
    %dma_wait3A_137 = arith.constant 0 : i32
    %dma_wait3A_138 = tpu.memref_slice %arg14[%dma_wait3A_137] : memref<4096xi32, #tpu.memory_space<vmem>> -> memref<4096xi32, #tpu.memory_space<vmem>>
    %dma_wait3A_139 = arith.constant 0 : i32
    %dma_wait3A_140 = tpu.memref_slice %arg3[%dma_wait3A_131, %dma_wait3A_139] : memref<2x2684354xi32, #tpu.memory_space<hbm>> -> memref<1x4096xi32, #tpu.memory_space<hbm>>
    %dma_wait3A_141 = tpu.memref_squeeze %dma_wait3A_140 : memref<1x4096xi32, #tpu.memory_space<hbm>> -> memref<4096xi32, #tpu.memory_space<hbm>>
    tpu.wait_dma2 semaphore(%arg19 : memref<!tpu.dma_semaphore, #tpu.memory_space<semaphore_mem>>) src(%dma_wait3A_141 : memref<4096xi32, #tpu.memory_space<hbm>>) dst(%dma_wait3A_138 : memref<4096xi32, #tpu.memory_space<vmem>>)
    %parallel_loop3A_142 = arith.constant 0 : i32
    %parallel_loop3A_143 = arith.constant 256 : i32
    %parallel_loop3A_144 = arith.constant 1 : i32
    scf.for %parallel_loop3A_200 = %parallel_loop3A_142 to %parallel_loop3A_143 step %parallel_loop3A_144  : i32 {
      %parallel_loop3A_201 = arith.constant 16 : i32
      %parallel_loop3A_202 = arith.muli %parallel_loop3A_200, %parallel_loop3A_201 : i32
      %parallel_loop3A_203 = arith.index_cast %parallel_loop3A_202 : i32 to index
      %parallel_loop3A_204 = tpu.vector_load %arg12[%parallel_loop3A_203] {strides = array<i32>} : memref<4096xi32, #tpu.memory_space<vmem>>, vector<16xi32>,
      %parallel_loop3A_205 = arith.index_cast %parallel_loop3A_202 : i32 to index
      %parallel_loop3A_206 = tpu.vector_load %arg14[%parallel_loop3A_205] {strides = array<i32>} : memref<4096xi32, #tpu.memory_space<vmem>>, vector<16xi32>,
      %parallel_loop3A_207 = arith.index_cast %parallel_loop3A_202 : i32 to index
      %parallel_loop3A_208 = tpu.vector_load %arg10[%parallel_loop3A_207] {strides = array<i32>} : memref<4096xf32, #tpu.memory_space<vmem>>, vector<16xf32>,
      %parallel_loop3A_209 = tpu.vector_load_idx %arg8[%parallel_loop3A_206] : memref<16384xf32, #tpu.memory_space<vmem>>[vector<16xi32>], vector<16xf32>,
      %parallel_loop3A_210 = arith.mulf %parallel_loop3A_208, %parallel_loop3A_209 : vector<16xf32>
      tpu.vector_store_idx %arg9[%parallel_loop3A_204], %parallel_loop3A_210 {add = true} : memref<16384xf32, #tpu.memory_space<vmem>>[vector<16xi32>], vector<16xf32>,
    } {sc.loop_unroll_factor = 8 : i64, sc.parallel_access}
    %eq3A = arith.constant 2048 : i32
    %eq3A_145 = arith.cmpi eq, %sub3A_53, %eq3A : i32
    %convert_element_type3A = arith.extui %eq3A_145 : i1 to i32
    %cond3A = arith.constant 0 : i32
    %cond3A_146 = arith.cmpi ne, %convert_element_type3A, %cond3A : i32
    scf.if %cond3A_146 {
      %add3A_200 = arith.constant 81920 : i32
      %add3A_201 = arith.addi %mul3A_20, %add3A_200 : i32
      %dma_start3A_202 = arith.constant 0 : i32
      %dma_start3A_203 = tpu.memref_slice %arg10[%dma_start3A_202] : memref<4096xf32, #tpu.memory_space<vmem>> -> memref<2048xf32, #tpu.memory_space<vmem>>
      %dma_start3A_204 = tpu.memref_slice %arg2[%add3A_201] : memref<2684354xf32, #tpu.memory_space<hbm>> -> memref<2048xf32, #tpu.memory_space<hbm>>
      %dma_start3A_205 = arith.constant 0 : i32
      %dma_start3A_206 = tpu.memref_slice %arg10[%dma_start3A_205] : memref<4096xf32, #tpu.memory_space<vmem>> -> memref<2048xf32, #tpu.memory_space<vmem>>
      %dma_start3A_207 = tpu.memref_slice %arg2[%add3A_201] : memref<2684354xf32, #tpu.memory_space<hbm>> -> memref<2048xf32, #tpu.memory_space<hbm>>
      tpu.enqueue_dma source(%dma_start3A_207 : memref<2048xf32, #tpu.memory_space<hbm>>) target(%dma_start3A_206 : memref<2048xf32, #tpu.memory_space<vmem>>) target_semaphore(%arg19 : memref<!tpu.dma_semaphore, #tpu.memory_space<semaphore_mem>>)
      %dma_start3A_208 = arith.constant 0 : i32
      %dma_start3A_209 = arith.constant 0 : i32
      %dma_start3A_210 = tpu.memref_slice %arg12[%dma_start3A_209] : memref<4096xi32, #tpu.memory_space<vmem>> -> memref<2048xi32, #tpu.memory_space<vmem>>
      %dma_start3A_211 = tpu.memref_slice %arg3[%dma_start3A_208, %add3A_201] : memref<2x2684354xi32, #tpu.memory_space<hbm>> -> memref<1x2048xi32, #tpu.memory_space<hbm>>
      %dma_start3A_212 = tpu.memref_squeeze %dma_start3A_211 : memref<1x2048xi32, #tpu.memory_space<hbm>> -> memref<2048xi32, #tpu.memory_space<hbm>>
      %dma_start3A_213 = arith.constant 0 : i32
      %dma_start3A_214 = tpu.memref_slice %arg12[%dma_start3A_213] : memref<4096xi32, #tpu.memory_space<vmem>> -> memref<2048xi32, #tpu.memory_space<vmem>>
      %dma_start3A_215 = tpu.memref_slice %arg3[%dma_start3A_208, %add3A_201] : memref<2x2684354xi32, #tpu.memory_space<hbm>> -> memref<1x2048xi32, #tpu.memory_space<hbm>>
      %dma_start3A_216 = tpu.memref_squeeze %dma_start3A_215 : memref<1x2048xi32, #tpu.memory_space<hbm>> -> memref<2048xi32, #tpu.memory_space<hbm>>
      tpu.enqueue_dma source(%dma_start3A_216 : memref<2048xi32, #tpu.memory_space<hbm>>) target(%dma_start3A_214 : memref<2048xi32, #tpu.memory_space<vmem>>) target_semaphore(%arg19 : memref<!tpu.dma_semaphore, #tpu.memory_space<semaphore_mem>>)
      %dma_start3A_217 = arith.constant 1 : i32
      %dma_start3A_218 = arith.constant 0 : i32
      %dma_start3A_219 = tpu.memref_slice %arg14[%dma_start3A_218] : memref<4096xi32, #tpu.memory_space<vmem>> -> memref<2048xi32, #tpu.memory_space<vmem>>
      %dma_start3A_220 = tpu.memref_slice %arg3[%dma_start3A_217, %add3A_201] : memref<2x2684354xi32, #tpu.memory_space<hbm>> -> memref<1x2048xi32, #tpu.memory_space<hbm>>
      %dma_start3A_221 = tpu.memref_squeeze %dma_start3A_220 : memref<1x2048xi32, #tpu.memory_space<hbm>> -> memref<2048xi32, #tpu.memory_space<hbm>>
      %dma_start3A_222 = arith.constant 0 : i32
      %dma_start3A_223 = tpu.memref_slice %arg14[%dma_start3A_222] : memref<4096xi32, #tpu.memory_space<vmem>> -> memref<2048xi32, #tpu.memory_space<vmem>>
      %dma_start3A_224 = tpu.memref_slice %arg3[%dma_start3A_217, %add3A_201] : memref<2x2684354xi32, #tpu.memory_space<hbm>> -> memref<1x2048xi32, #tpu.memory_space<hbm>>
      %dma_start3A_225 = tpu.memref_squeeze %dma_start3A_224 : memref<1x2048xi32, #tpu.memory_space<hbm>> -> memref<2048xi32, #tpu.memory_space<hbm>>
      tpu.enqueue_dma source(%dma_start3A_225 : memref<2048xi32, #tpu.memory_space<hbm>>) target(%dma_start3A_223 : memref<2048xi32, #tpu.memory_space<vmem>>) target_semaphore(%arg19 : memref<!tpu.dma_semaphore, #tpu.memory_space<semaphore_mem>>)
    } else {
    }
    %eq3A_147 = arith.constant 1920 : i32
    %eq3A_148 = arith.cmpi eq, %sub3A_53, %eq3A_147 : i32
    %convert_element_type3A_149 = arith.extui %eq3A_148 : i1 to i32
    %cond3A_150 = arith.constant 0 : i32
    %cond3A_151 = arith.cmpi ne, %convert_element_type3A_149, %cond3A_150 : i32
    scf.if %cond3A_151 {
      %add3A_200 = arith.constant 81920 : i32
      %add3A_201 = arith.addi %mul3A_20, %add3A_200 : i32
      %dma_start3A_202 = arith.constant 0 : i32
      %dma_start3A_203 = tpu.memref_slice %arg10[%dma_start3A_202] : memref<4096xf32, #tpu.memory_space<vmem>> -> memref<1920xf32, #tpu.memory_space<vmem>>
      %dma_start3A_204 = tpu.memref_slice %arg2[%add3A_201] : memref<2684354xf32, #tpu.memory_space<hbm>> -> memref<1920xf32, #tpu.memory_space<hbm>>
      %dma_start3A_205 = arith.constant 0 : i32
      %dma_start3A_206 = tpu.memref_slice %arg10[%dma_start3A_205] : memref<4096xf32, #tpu.memory_space<vmem>> -> memref<1920xf32, #tpu.memory_space<vmem>>
      %dma_start3A_207 = tpu.memref_slice %arg2[%add3A_201] : memref<2684354xf32, #tpu.memory_space<hbm>> -> memref<1920xf32, #tpu.memory_space<hbm>>
      tpu.enqueue_dma source(%dma_start3A_207 : memref<1920xf32, #tpu.memory_space<hbm>>) target(%dma_start3A_206 : memref<1920xf32, #tpu.memory_space<vmem>>) target_semaphore(%arg19 : memref<!tpu.dma_semaphore, #tpu.memory_space<semaphore_mem>>)
      %dma_start3A_208 = arith.constant 0 : i32
      %dma_start3A_209 = arith.constant 0 : i32
      %dma_start3A_210 = tpu.memref_slice %arg12[%dma_start3A_209] : memref<4096xi32, #tpu.memory_space<vmem>> -> memref<1920xi32, #tpu.memory_space<vmem>>
      %dma_start3A_211 = tpu.memref_slice %arg3[%dma_start3A_208, %add3A_201] : memref<2x2684354xi32, #tpu.memory_space<hbm>> -> memref<1x1920xi32, #tpu.memory_space<hbm>>
      %dma_start3A_212 = tpu.memref_squeeze %dma_start3A_211 : memref<1x1920xi32, #tpu.memory_space<hbm>> -> memref<1920xi32, #tpu.memory_space<hbm>>
      %dma_start3A_213 = arith.constant 0 : i32
      %dma_start3A_214 = tpu.memref_slice %arg12[%dma_start3A_213] : memref<4096xi32, #tpu.memory_space<vmem>> -> memref<1920xi32, #tpu.memory_space<vmem>>
      %dma_start3A_215 = tpu.memref_slice %arg3[%dma_start3A_208, %add3A_201] : memref<2x2684354xi32, #tpu.memory_space<hbm>> -> memref<1x1920xi32, #tpu.memory_space<hbm>>
      %dma_start3A_216 = tpu.memref_squeeze %dma_start3A_215 : memref<1x1920xi32, #tpu.memory_space<hbm>> -> memref<1920xi32, #tpu.memory_space<hbm>>
      tpu.enqueue_dma source(%dma_start3A_216 : memref<1920xi32, #tpu.memory_space<hbm>>) target(%dma_start3A_214 : memref<1920xi32, #tpu.memory_space<vmem>>) target_semaphore(%arg19 : memref<!tpu.dma_semaphore, #tpu.memory_space<semaphore_mem>>)
      %dma_start3A_217 = arith.constant 1 : i32
      %dma_start3A_218 = arith.constant 0 : i32
      %dma_start3A_219 = tpu.memref_slice %arg14[%dma_start3A_218] : memref<4096xi32, #tpu.memory_space<vmem>> -> memref<1920xi32, #tpu.memory_space<vmem>>
      %dma_start3A_220 = tpu.memref_slice %arg3[%dma_start3A_217, %add3A_201] : memref<2x2684354xi32, #tpu.memory_space<hbm>> -> memref<1x1920xi32, #tpu.memory_space<hbm>>
      %dma_start3A_221 = tpu.memref_squeeze %dma_start3A_220 : memref<1x1920xi32, #tpu.memory_space<hbm>> -> memref<1920xi32, #tpu.memory_space<hbm>>
      %dma_start3A_222 = arith.constant 0 : i32
      %dma_start3A_223 = tpu.memref_slice %arg14[%dma_start3A_222] : memref<4096xi32, #tpu.memory_space<vmem>> -> memref<1920xi32, #tpu.memory_space<vmem>>
      %dma_start3A_224 = tpu.memref_slice %arg3[%dma_start3A_217, %add3A_201] : memref<2x2684354xi32, #tpu.memory_space<hbm>> -> memref<1x1920xi32, #tpu.memory_space<hbm>>
      %dma_start3A_225 = tpu.memref_squeeze %dma_start3A_224 : memref<1x1920xi32, #tpu.memory_space<hbm>> -> memref<1920xi32, #tpu.memory_space<hbm>>
      tpu.enqueue_dma source(%dma_start3A_225 : memref<1920xi32, #tpu.memory_space<hbm>>) target(%dma_start3A_223 : memref<1920xi32, #tpu.memory_space<vmem>>) target_semaphore(%arg19 : memref<!tpu.dma_semaphore, #tpu.memory_space<semaphore_mem>>)
    } else {
    }
    %dma_wait3A_152 = arith.constant 0 : i32
    %dma_wait3A_153 = tpu.memref_slice %arg11[%dma_wait3A_152] : memref<4096xf32, #tpu.memory_space<vmem>> -> memref<4096xf32, #tpu.memory_space<vmem>>
    %dma_wait3A_154 = arith.constant 0 : i32
    %dma_wait3A_155 = tpu.memref_slice %arg2[%dma_wait3A_154] : memref<2684354xf32, #tpu.memory_space<hbm>> -> memref<4096xf32, #tpu.memory_space<hbm>>
    %dma_wait3A_156 = arith.constant 0 : i32
    %dma_wait3A_157 = tpu.memref_slice %arg11[%dma_wait3A_156] : memref<4096xf32, #tpu.memory_space<vmem>> -> memref<4096xf32, #tpu.memory_space<vmem>>
    %dma_wait3A_158 = arith.constant 0 : i32
    %dma_wait3A_159 = tpu.memref_slice %arg2[%dma_wait3A_158] : memref<2684354xf32, #tpu.memory_space<hbm>> -> memref<4096xf32, #tpu.memory_space<hbm>>
    tpu.wait_dma2 semaphore(%arg20 : memref<!tpu.dma_semaphore, #tpu.memory_space<semaphore_mem>>) src(%dma_wait3A_159 : memref<4096xf32, #tpu.memory_space<hbm>>) dst(%dma_wait3A_157 : memref<4096xf32, #tpu.memory_space<vmem>>)
    %dma_wait3A_160 = arith.constant 0 : i32
    %dma_wait3A_161 = arith.constant 0 : i32
    %dma_wait3A_162 = tpu.memref_slice %arg13[%dma_wait3A_161] : memref<4096xi32, #tpu.memory_space<vmem>> -> memref<4096xi32, #tpu.memory_space<vmem>>
    %dma_wait3A_163 = arith.constant 0 : i32
    %dma_wait3A_164 = tpu.memref_slice %arg3[%dma_wait3A_160, %dma_wait3A_163] : memref<2x2684354xi32, #tpu.memory_space<hbm>> -> memref<1x4096xi32, #tpu.memory_space<hbm>>
    %dma_wait3A_165 = tpu.memref_squeeze %dma_wait3A_164 : memref<1x4096xi32, #tpu.memory_space<hbm>> -> memref<4096xi32, #tpu.memory_space<hbm>>
    %dma_wait3A_166 = arith.constant 0 : i32
    %dma_wait3A_167 = tpu.memref_slice %arg13[%dma_wait3A_166] : memref<4096xi32, #tpu.memory_space<vmem>> -> memref<4096xi32, #tpu.memory_space<vmem>>
    %dma_wait3A_168 = arith.constant 0 : i32
    %dma_wait3A_169 = tpu.memref_slice %arg3[%dma_wait3A_160, %dma_wait3A_168] : memref<2x2684354xi32, #tpu.memory_space<hbm>> -> memref<1x4096xi32, #tpu.memory_space<hbm>>
    %dma_wait3A_170 = tpu.memref_squeeze %dma_wait3A_169 : memref<1x4096xi32, #tpu.memory_space<hbm>> -> memref<4096xi32, #tpu.memory_space<hbm>>
    tpu.wait_dma2 semaphore(%arg20 : memref<!tpu.dma_semaphore, #tpu.memory_space<semaphore_mem>>) src(%dma_wait3A_170 : memref<4096xi32, #tpu.memory_space<hbm>>) dst(%dma_wait3A_167 : memref<4096xi32, #tpu.memory_space<vmem>>)
    %dma_wait3A_171 = arith.constant 1 : i32
    %dma_wait3A_172 = arith.constant 0 : i32
    %dma_wait3A_173 = tpu.memref_slice %arg15[%dma_wait3A_172] : memref<4096xi32, #tpu.memory_space<vmem>> -> memref<4096xi32, #tpu.memory_space<vmem>>
    %dma_wait3A_174 = arith.constant 0 : i32
    %dma_wait3A_175 = tpu.memref_slice %arg3[%dma_wait3A_171, %dma_wait3A_174] : memref<2x2684354xi32, #tpu.memory_space<hbm>> -> memref<1x4096xi32, #tpu.memory_space<hbm>>
    %dma_wait3A_176 = tpu.memref_squeeze %dma_wait3A_175 : memref<1x4096xi32, #tpu.memory_space<hbm>> -> memref<4096xi32, #tpu.memory_space<hbm>>
    %dma_wait3A_177 = arith.constant 0 : i32
    %dma_wait3A_178 = tpu.memref_slice %arg15[%dma_wait3A_177] : memref<4096xi32, #tpu.memory_space<vmem>> -> memref<4096xi32, #tpu.memory_space<vmem>>
    %dma_wait3A_179 = arith.constant 0 : i32
    %dma_wait3A_180 = tpu.memref_slice %arg3[%dma_wait3A_171, %dma_wait3A_179] : memref<2x2684354xi32, #tpu.memory_space<hbm>> -> memref<1x4096xi32, #tpu.memory_space<hbm>>
    %dma_wait3A_181 = tpu.memref_squeeze %dma_wait3A_180 : memref<1x4096xi32, #tpu.memory_space<hbm>> -> memref<4096xi32, #tpu.memory_space<hbm>>
    tpu.wait_dma2 semaphore(%arg20 : memref<!tpu.dma_semaphore, #tpu.memory_space<semaphore_mem>>) src(%dma_wait3A_181 : memref<4096xi32, #tpu.memory_space<hbm>>) dst(%dma_wait3A_178 : memref<4096xi32, #tpu.memory_space<vmem>>)
    %parallel_loop3A_182 = arith.constant 0 : i32
    %parallel_loop3A_183 = arith.constant 256 : i32
    %parallel_loop3A_184 = arith.constant 1 : i32
    scf.for %parallel_loop3A_200 = %parallel_loop3A_182 to %parallel_loop3A_183 step %parallel_loop3A_184  : i32 {
      %parallel_loop3A_201 = arith.constant 16 : i32
      %parallel_loop3A_202 = arith.muli %parallel_loop3A_200, %parallel_loop3A_201 : i32
      %parallel_loop3A_203 = arith.index_cast %parallel_loop3A_202 : i32 to index
      %parallel_loop3A_204 = tpu.vector_load %arg13[%parallel_loop3A_203] {strides = array<i32>} : memref<4096xi32, #tpu.memory_space<vmem>>, vector<16xi32>,
      %parallel_loop3A_205 = arith.index_cast %parallel_loop3A_202 : i32 to index
      %parallel_loop3A_206 = tpu.vector_load %arg15[%parallel_loop3A_205] {strides = array<i32>} : memref<4096xi32, #tpu.memory_space<vmem>>, vector<16xi32>,
      %parallel_loop3A_207 = arith.index_cast %parallel_loop3A_202 : i32 to index
      %parallel_loop3A_208 = tpu.vector_load %arg11[%parallel_loop3A_207] {strides = array<i32>} : memref<4096xf32, #tpu.memory_space<vmem>>, vector<16xf32>,
      %parallel_loop3A_209 = tpu.vector_load_idx %arg8[%parallel_loop3A_206] : memref<16384xf32, #tpu.memory_space<vmem>>[vector<16xi32>], vector<16xf32>,
      %parallel_loop3A_210 = arith.mulf %parallel_loop3A_208, %parallel_loop3A_209 : vector<16xf32>
      tpu.vector_store_idx %arg9[%parallel_loop3A_204], %parallel_loop3A_210 {add = true} : memref<16384xf32, #tpu.memory_space<vmem>>[vector<16xi32>], vector<16xf32>,
    } {sc.loop_unroll_factor = 8 : i64, sc.parallel_access}
    %eq3A_185 = arith.constant 2048 : i32
    %eq3A_186 = arith.cmpi eq, %sub3A_53, %eq3A_185 : i32
    %convert_element_type3A_187 = arith.extui %eq3A_186 : i1 to i32
    %cond3A_188 = arith.constant 0 : i32
    %cond3A_189 = arith.cmpi ne, %convert_element_type3A_187, %cond3A_188 : i32
    scf.if %cond3A_189 {
      %dma_wait3A_200 = arith.constant 0 : i32
      %dma_wait3A_201 = tpu.memref_slice %arg10[%dma_wait3A_200] : memref<4096xf32, #tpu.memory_space<vmem>> -> memref<2048xf32, #tpu.memory_space<vmem>>
      %dma_wait3A_202 = arith.constant 0 : i32
      %dma_wait3A_203 = tpu.memref_slice %arg2[%dma_wait3A_202] : memref<2684354xf32, #tpu.memory_space<hbm>> -> memref<2048xf32, #tpu.memory_space<hbm>>
      %dma_wait3A_204 = arith.constant 0 : i32
      %dma_wait3A_205 = tpu.memref_slice %arg10[%dma_wait3A_204] : memref<4096xf32, #tpu.memory_space<vmem>> -> memref<2048xf32, #tpu.memory_space<vmem>>
      %dma_wait3A_206 = arith.constant 0 : i32
      %dma_wait3A_207 = tpu.memref_slice %arg2[%dma_wait3A_206] : memref<2684354xf32, #tpu.memory_space<hbm>> -> memref<2048xf32, #tpu.memory_space<hbm>>
      tpu.wait_dma2 semaphore(%arg19 : memref<!tpu.dma_semaphore, #tpu.memory_space<semaphore_mem>>) src(%dma_wait3A_207 : memref<2048xf32, #tpu.memory_space<hbm>>) dst(%dma_wait3A_205 : memref<2048xf32, #tpu.memory_space<vmem>>)
      %dma_wait3A_208 = arith.constant 0 : i32
      %dma_wait3A_209 = arith.constant 0 : i32
      %dma_wait3A_210 = tpu.memref_slice %arg12[%dma_wait3A_209] : memref<4096xi32, #tpu.memory_space<vmem>> -> memref<2048xi32, #tpu.memory_space<vmem>>
      %dma_wait3A_211 = arith.constant 0 : i32
      %dma_wait3A_212 = tpu.memref_slice %arg3[%dma_wait3A_208, %dma_wait3A_211] : memref<2x2684354xi32, #tpu.memory_space<hbm>> -> memref<1x2048xi32, #tpu.memory_space<hbm>>
      %dma_wait3A_213 = tpu.memref_squeeze %dma_wait3A_212 : memref<1x2048xi32, #tpu.memory_space<hbm>> -> memref<2048xi32, #tpu.memory_space<hbm>>
      %dma_wait3A_214 = arith.constant 0 : i32
      %dma_wait3A_215 = tpu.memref_slice %arg12[%dma_wait3A_214] : memref<4096xi32, #tpu.memory_space<vmem>> -> memref<2048xi32, #tpu.memory_space<vmem>>
      %dma_wait3A_216 = arith.constant 0 : i32
      %dma_wait3A_217 = tpu.memref_slice %arg3[%dma_wait3A_208, %dma_wait3A_216] : memref<2x2684354xi32, #tpu.memory_space<hbm>> -> memref<1x2048xi32, #tpu.memory_space<hbm>>
      %dma_wait3A_218 = tpu.memref_squeeze %dma_wait3A_217 : memref<1x2048xi32, #tpu.memory_space<hbm>> -> memref<2048xi32, #tpu.memory_space<hbm>>
      tpu.wait_dma2 semaphore(%arg19 : memref<!tpu.dma_semaphore, #tpu.memory_space<semaphore_mem>>) src(%dma_wait3A_218 : memref<2048xi32, #tpu.memory_space<hbm>>) dst(%dma_wait3A_215 : memref<2048xi32, #tpu.memory_space<vmem>>)
      %dma_wait3A_219 = arith.constant 1 : i32
      %dma_wait3A_220 = arith.constant 0 : i32
      %dma_wait3A_221 = tpu.memref_slice %arg14[%dma_wait3A_220] : memref<4096xi32, #tpu.memory_space<vmem>> -> memref<2048xi32, #tpu.memory_space<vmem>>
      %dma_wait3A_222 = arith.constant 0 : i32
      %dma_wait3A_223 = tpu.memref_slice %arg3[%dma_wait3A_219, %dma_wait3A_222] : memref<2x2684354xi32, #tpu.memory_space<hbm>> -> memref<1x2048xi32, #tpu.memory_space<hbm>>
      %dma_wait3A_224 = tpu.memref_squeeze %dma_wait3A_223 : memref<1x2048xi32, #tpu.memory_space<hbm>> -> memref<2048xi32, #tpu.memory_space<hbm>>
      %dma_wait3A_225 = arith.constant 0 : i32
      %dma_wait3A_226 = tpu.memref_slice %arg14[%dma_wait3A_225] : memref<4096xi32, #tpu.memory_space<vmem>> -> memref<2048xi32, #tpu.memory_space<vmem>>
      %dma_wait3A_227 = arith.constant 0 : i32
      %dma_wait3A_228 = tpu.memref_slice %arg3[%dma_wait3A_219, %dma_wait3A_227] : memref<2x2684354xi32, #tpu.memory_space<hbm>> -> memref<1x2048xi32, #tpu.memory_space<hbm>>
      %dma_wait3A_229 = tpu.memref_squeeze %dma_wait3A_228 : memref<1x2048xi32, #tpu.memory_space<hbm>> -> memref<2048xi32, #tpu.memory_space<hbm>>
      tpu.wait_dma2 semaphore(%arg19 : memref<!tpu.dma_semaphore, #tpu.memory_space<semaphore_mem>>) src(%dma_wait3A_229 : memref<2048xi32, #tpu.memory_space<hbm>>) dst(%dma_wait3A_226 : memref<2048xi32, #tpu.memory_space<vmem>>)
      %parallel_loop3A_230 = arith.constant 0 : i32
      %parallel_loop3A_231 = arith.constant 128 : i32
      %parallel_loop3A_232 = arith.constant 1 : i32
      scf.for %parallel_loop3A_233 = %parallel_loop3A_230 to %parallel_loop3A_231 step %parallel_loop3A_232  : i32 {
        %parallel_loop3A_234 = arith.constant 16 : i32
        %parallel_loop3A_235 = arith.muli %parallel_loop3A_233, %parallel_loop3A_234 : i32
        %parallel_loop3A_236 = arith.index_cast %parallel_loop3A_235 : i32 to index
        %parallel_loop3A_237 = tpu.vector_load %arg12[%parallel_loop3A_236] {strides = array<i32>} : memref<4096xi32, #tpu.memory_space<vmem>>, vector<16xi32>,
        %parallel_loop3A_238 = arith.index_cast %parallel_loop3A_235 : i32 to index
        %parallel_loop3A_239 = tpu.vector_load %arg14[%parallel_loop3A_238] {strides = array<i32>} : memref<4096xi32, #tpu.memory_space<vmem>>, vector<16xi32>,
        %parallel_loop3A_240 = arith.index_cast %parallel_loop3A_235 : i32 to index
        %parallel_loop3A_241 = tpu.vector_load %arg10[%parallel_loop3A_240] {strides = array<i32>} : memref<4096xf32, #tpu.memory_space<vmem>>, vector<16xf32>,
        %parallel_loop3A_242 = tpu.vector_load_idx %arg8[%parallel_loop3A_239] : memref<16384xf32, #tpu.memory_space<vmem>>[vector<16xi32>], vector<16xf32>,
        %parallel_loop3A_243 = arith.mulf %parallel_loop3A_241, %parallel_loop3A_242 : vector<16xf32>
        tpu.vector_store_idx %arg9[%parallel_loop3A_237], %parallel_loop3A_243 {add = true} : memref<16384xf32, #tpu.memory_space<vmem>>[vector<16xi32>], vector<16xf32>,
      } {sc.loop_unroll_factor = 8 : i64, sc.parallel_access}
    } else {
    }
    %eq3A_190 = arith.constant 1920 : i32
    %eq3A_191 = arith.cmpi eq, %sub3A_53, %eq3A_190 : i32
    %convert_element_type3A_192 = arith.extui %eq3A_191 : i1 to i32
    %cond3A_193 = arith.constant 0 : i32
    %cond3A_194 = arith.cmpi ne, %convert_element_type3A_192, %cond3A_193 : i32
    scf.if %cond3A_194 {
      %dma_wait3A_200 = arith.constant 0 : i32
      %dma_wait3A_201 = tpu.memref_slice %arg10[%dma_wait3A_200] : memref<4096xf32, #tpu.memory_space<vmem>> -> memref<1920xf32, #tpu.memory_space<vmem>>
      %dma_wait3A_202 = arith.constant 0 : i32
      %dma_wait3A_203 = tpu.memref_slice %arg2[%dma_wait3A_202] : memref<2684354xf32, #tpu.memory_space<hbm>> -> memref<1920xf32, #tpu.memory_space<hbm>>
      %dma_wait3A_204 = arith.constant 0 : i32
      %dma_wait3A_205 = tpu.memref_slice %arg10[%dma_wait3A_204] : memref<4096xf32, #tpu.memory_space<vmem>> -> memref<1920xf32, #tpu.memory_space<vmem>>
      %dma_wait3A_206 = arith.constant 0 : i32
      %dma_wait3A_207 = tpu.memref_slice %arg2[%dma_wait3A_206] : memref<2684354xf32, #tpu.memory_space<hbm>> -> memref<1920xf32, #tpu.memory_space<hbm>>
      tpu.wait_dma2 semaphore(%arg19 : memref<!tpu.dma_semaphore, #tpu.memory_space<semaphore_mem>>) src(%dma_wait3A_207 : memref<1920xf32, #tpu.memory_space<hbm>>) dst(%dma_wait3A_205 : memref<1920xf32, #tpu.memory_space<vmem>>)
      %dma_wait3A_208 = arith.constant 0 : i32
      %dma_wait3A_209 = arith.constant 0 : i32
      %dma_wait3A_210 = tpu.memref_slice %arg12[%dma_wait3A_209] : memref<4096xi32, #tpu.memory_space<vmem>> -> memref<1920xi32, #tpu.memory_space<vmem>>
      %dma_wait3A_211 = arith.constant 0 : i32
      %dma_wait3A_212 = tpu.memref_slice %arg3[%dma_wait3A_208, %dma_wait3A_211] : memref<2x2684354xi32, #tpu.memory_space<hbm>> -> memref<1x1920xi32, #tpu.memory_space<hbm>>
      %dma_wait3A_213 = tpu.memref_squeeze %dma_wait3A_212 : memref<1x1920xi32, #tpu.memory_space<hbm>> -> memref<1920xi32, #tpu.memory_space<hbm>>
      %dma_wait3A_214 = arith.constant 0 : i32
      %dma_wait3A_215 = tpu.memref_slice %arg12[%dma_wait3A_214] : memref<4096xi32, #tpu.memory_space<vmem>> -> memref<1920xi32, #tpu.memory_space<vmem>>
      %dma_wait3A_216 = arith.constant 0 : i32
      %dma_wait3A_217 = tpu.memref_slice %arg3[%dma_wait3A_208, %dma_wait3A_216] : memref<2x2684354xi32, #tpu.memory_space<hbm>> -> memref<1x1920xi32, #tpu.memory_space<hbm>>
      %dma_wait3A_218 = tpu.memref_squeeze %dma_wait3A_217 : memref<1x1920xi32, #tpu.memory_space<hbm>> -> memref<1920xi32, #tpu.memory_space<hbm>>
      tpu.wait_dma2 semaphore(%arg19 : memref<!tpu.dma_semaphore, #tpu.memory_space<semaphore_mem>>) src(%dma_wait3A_218 : memref<1920xi32, #tpu.memory_space<hbm>>) dst(%dma_wait3A_215 : memref<1920xi32, #tpu.memory_space<vmem>>)
      %dma_wait3A_219 = arith.constant 1 : i32
      %dma_wait3A_220 = arith.constant 0 : i32
      %dma_wait3A_221 = tpu.memref_slice %arg14[%dma_wait3A_220] : memref<4096xi32, #tpu.memory_space<vmem>> -> memref<1920xi32, #tpu.memory_space<vmem>>
      %dma_wait3A_222 = arith.constant 0 : i32
      %dma_wait3A_223 = tpu.memref_slice %arg3[%dma_wait3A_219, %dma_wait3A_222] : memref<2x2684354xi32, #tpu.memory_space<hbm>> -> memref<1x1920xi32, #tpu.memory_space<hbm>>
      %dma_wait3A_224 = tpu.memref_squeeze %dma_wait3A_223 : memref<1x1920xi32, #tpu.memory_space<hbm>> -> memref<1920xi32, #tpu.memory_space<hbm>>
      %dma_wait3A_225 = arith.constant 0 : i32
      %dma_wait3A_226 = tpu.memref_slice %arg14[%dma_wait3A_225] : memref<4096xi32, #tpu.memory_space<vmem>> -> memref<1920xi32, #tpu.memory_space<vmem>>
      %dma_wait3A_227 = arith.constant 0 : i32
      %dma_wait3A_228 = tpu.memref_slice %arg3[%dma_wait3A_219, %dma_wait3A_227] : memref<2x2684354xi32, #tpu.memory_space<hbm>> -> memref<1x1920xi32, #tpu.memory_space<hbm>>
      %dma_wait3A_229 = tpu.memref_squeeze %dma_wait3A_228 : memref<1x1920xi32, #tpu.memory_space<hbm>> -> memref<1920xi32, #tpu.memory_space<hbm>>
      tpu.wait_dma2 semaphore(%arg19 : memref<!tpu.dma_semaphore, #tpu.memory_space<semaphore_mem>>) src(%dma_wait3A_229 : memref<1920xi32, #tpu.memory_space<hbm>>) dst(%dma_wait3A_226 : memref<1920xi32, #tpu.memory_space<vmem>>)
      %parallel_loop3A_230 = arith.constant 0 : i32
      %parallel_loop3A_231 = arith.constant 120 : i32
      %parallel_loop3A_232 = arith.constant 1 : i32
      scf.for %parallel_loop3A_233 = %parallel_loop3A_230 to %parallel_loop3A_231 step %parallel_loop3A_232  : i32 {
        %parallel_loop3A_234 = arith.constant 16 : i32
        %parallel_loop3A_235 = arith.muli %parallel_loop3A_233, %parallel_loop3A_234 : i32
        %parallel_loop3A_236 = arith.index_cast %parallel_loop3A_235 : i32 to index
        %parallel_loop3A_237 = tpu.vector_load %arg12[%parallel_loop3A_236] {strides = array<i32>} : memref<4096xi32, #tpu.memory_space<vmem>>, vector<16xi32>,
        %parallel_loop3A_238 = arith.index_cast %parallel_loop3A_235 : i32 to index
        %parallel_loop3A_239 = tpu.vector_load %arg14[%parallel_loop3A_238] {strides = array<i32>} : memref<4096xi32, #tpu.memory_space<vmem>>, vector<16xi32>,
        %parallel_loop3A_240 = arith.index_cast %parallel_loop3A_235 : i32 to index
        %parallel_loop3A_241 = tpu.vector_load %arg10[%parallel_loop3A_240] {strides = array<i32>} : memref<4096xf32, #tpu.memory_space<vmem>>, vector<16xf32>,
        %parallel_loop3A_242 = tpu.vector_load_idx %arg8[%parallel_loop3A_239] : memref<16384xf32, #tpu.memory_space<vmem>>[vector<16xi32>], vector<16xf32>,
        %parallel_loop3A_243 = arith.mulf %parallel_loop3A_241, %parallel_loop3A_242 : vector<16xf32>
        tpu.vector_store_idx %arg9[%parallel_loop3A_237], %parallel_loop3A_243 {add = true} : memref<16384xf32, #tpu.memory_space<vmem>>[vector<16xi32>], vector<16xf32>,
      } {sc.loop_unroll_factor = 8 : i64, sc.parallel_access}
    } else {
    }
    %eq3A_195 = arith.constant 0 : i32
    %eq3A_196 = arith.cmpi eq, %add3A, %eq3A_195 : i32
    %convert_element_type3A_197 = arith.extui %eq3A_196 : i1 to i32
    %cond3A_198 = arith.constant 0 : i32
    %cond3A_199 = arith.cmpi ne, %convert_element_type3A_197, %cond3A_198 : i32
    scf.if %cond3A_199 {
      "tpu.region"() ({
        %run_scoped3A_204 = tpu.sem_alloc : memref<!tpu.dma_semaphore, #tpu.memory_space<semaphore_mem>>
        tpu.enqueue_dma source(%arg5 : memref<128xf32, #tpu.memory_space<hbm>>) target(%arg16 : memref<128xf32, #tpu.memory_space<vmem>>) target_semaphore(%run_scoped3A_204 : memref<!tpu.dma_semaphore, #tpu.memory_space<semaphore_mem>>)
        tpu.wait_dma2 semaphore(%run_scoped3A_204 : memref<!tpu.dma_semaphore, #tpu.memory_space<semaphore_mem>>) src(%arg5 : memref<128xf32, #tpu.memory_space<hbm>>) dst(%arg16 : memref<128xf32, #tpu.memory_space<vmem>>)
        tpu.yield
      }) : () -> ()
      %run_scoped3A = arith.constant 0 : i32
      "tpu.region"() ({
        %run_scoped3A_204 = tpu.sem_alloc : memref<!tpu.dma_semaphore, #tpu.memory_space<semaphore_mem>>
        %dma_start3A_205 = arith.constant 0 : i32
        %dma_start3A_206 = tpu.memref_slice %arg6[%run_scoped3A, %dma_start3A_205] : memref<2x128xi32, #tpu.memory_space<hbm>> -> memref<1x128xi32, #tpu.memory_space<hbm>>
        %dma_start3A_207 = tpu.memref_squeeze %dma_start3A_206 : memref<1x128xi32, #tpu.memory_space<hbm>> -> memref<128xi32, #tpu.memory_space<hbm>>
        %dma_start3A_208 = arith.constant 0 : i32
        %dma_start3A_209 = tpu.memref_slice %arg6[%run_scoped3A, %dma_start3A_208] : memref<2x128xi32, #tpu.memory_space<hbm>> -> memref<1x128xi32, #tpu.memory_space<hbm>>
        %dma_start3A_210 = tpu.memref_squeeze %dma_start3A_209 : memref<1x128xi32, #tpu.memory_space<hbm>> -> memref<128xi32, #tpu.memory_space<hbm>>
        tpu.enqueue_dma source(%dma_start3A_210 : memref<128xi32, #tpu.memory_space<hbm>>) target(%arg17 : memref<128xi32, #tpu.memory_space<vmem>>) target_semaphore(%run_scoped3A_204 : memref<!tpu.dma_semaphore, #tpu.memory_space<semaphore_mem>>)
        %dma_wait3A_211 = arith.constant 0 : i32
        %dma_wait3A_212 = tpu.memref_slice %arg6[%run_scoped3A, %dma_wait3A_211] : memref<2x128xi32, #tpu.memory_space<hbm>> -> memref<1x128xi32, #tpu.memory_space<hbm>>
        %dma_wait3A_213 = tpu.memref_squeeze %dma_wait3A_212 : memref<1x128xi32, #tpu.memory_space<hbm>> -> memref<128xi32, #tpu.memory_space<hbm>>
        %dma_wait3A_214 = arith.constant 0 : i32
        %dma_wait3A_215 = tpu.memref_slice %arg6[%run_scoped3A, %dma_wait3A_214] : memref<2x128xi32, #tpu.memory_space<hbm>> -> memref<1x128xi32, #tpu.memory_space<hbm>>
        %dma_wait3A_216 = tpu.memref_squeeze %dma_wait3A_215 : memref<1x128xi32, #tpu.memory_space<hbm>> -> memref<128xi32, #tpu.memory_space<hbm>>
        tpu.wait_dma2 semaphore(%run_scoped3A_204 : memref<!tpu.dma_semaphore, #tpu.memory_space<semaphore_mem>>) src(%dma_wait3A_216 : memref<128xi32, #tpu.memory_space<hbm>>) dst(%arg17 : memref<128xi32, #tpu.memory_space<vmem>>)
        tpu.yield
      }) : () -> ()
      %run_scoped3A_200 = arith.constant 1 : i32
      "tpu.region"() ({
        %run_scoped3A_204 = tpu.sem_alloc : memref<!tpu.dma_semaphore, #tpu.memory_space<semaphore_mem>>
        %dma_start3A_205 = arith.constant 0 : i32
        %dma_start3A_206 = tpu.memref_slice %arg6[%run_scoped3A_200, %dma_start3A_205] : memref<2x128xi32, #tpu.memory_space<hbm>> -> memref<1x128xi32, #tpu.memory_space<hbm>>
        %dma_start3A_207 = tpu.memref_squeeze %dma_start3A_206 : memref<1x128xi32, #tpu.memory_space<hbm>> -> memref<128xi32, #tpu.memory_space<hbm>>
        %dma_start3A_208 = arith.constant 0 : i32
        %dma_start3A_209 = tpu.memref_slice %arg6[%run_scoped3A_200, %dma_start3A_208] : memref<2x128xi32, #tpu.memory_space<hbm>> -> memref<1x128xi32, #tpu.memory_space<hbm>>
        %dma_start3A_210 = tpu.memref_squeeze %dma_start3A_209 : memref<1x128xi32, #tpu.memory_space<hbm>> -> memref<128xi32, #tpu.memory_space<hbm>>
        tpu.enqueue_dma source(%dma_start3A_210 : memref<128xi32, #tpu.memory_space<hbm>>) target(%arg18 : memref<128xi32, #tpu.memory_space<vmem>>) target_semaphore(%run_scoped3A_204 : memref<!tpu.dma_semaphore, #tpu.memory_space<semaphore_mem>>)
        %dma_wait3A_211 = arith.constant 0 : i32
        %dma_wait3A_212 = tpu.memref_slice %arg6[%run_scoped3A_200, %dma_wait3A_211] : memref<2x128xi32, #tpu.memory_space<hbm>> -> memref<1x128xi32, #tpu.memory_space<hbm>>
        %dma_wait3A_213 = tpu.memref_squeeze %dma_wait3A_212 : memref<1x128xi32, #tpu.memory_space<hbm>> -> memref<128xi32, #tpu.memory_space<hbm>>
        %dma_wait3A_214 = arith.constant 0 : i32
        %dma_wait3A_215 = tpu.memref_slice %arg6[%run_scoped3A_200, %dma_wait3A_214] : memref<2x128xi32, #tpu.memory_space<hbm>> -> memref<1x128xi32, #tpu.memory_space<hbm>>
        %dma_wait3A_216 = tpu.memref_squeeze %dma_wait3A_215 : memref<1x128xi32, #tpu.memory_space<hbm>> -> memref<128xi32, #tpu.memory_space<hbm>>
        tpu.wait_dma2 semaphore(%run_scoped3A_204 : memref<!tpu.dma_semaphore, #tpu.memory_space<semaphore_mem>>) src(%dma_wait3A_216 : memref<128xi32, #tpu.memory_space<hbm>>) dst(%arg18 : memref<128xi32, #tpu.memory_space<vmem>>)
        tpu.yield
      }) : () -> ()
      %parallel_loop3A_201 = arith.constant 0 : i32
      %parallel_loop3A_202 = arith.constant 8 : i32
      %parallel_loop3A_203 = arith.constant 1 : i32
      scf.for %parallel_loop3A_204 = %parallel_loop3A_201 to %parallel_loop3A_202 step %parallel_loop3A_203  : i32 {
        %parallel_loop3A_205 = arith.constant 16 : i32
        %parallel_loop3A_206 = arith.muli %parallel_loop3A_204, %parallel_loop3A_205 : i32
        %parallel_loop3A_207 = arith.index_cast %parallel_loop3A_206 : i32 to index
        %parallel_loop3A_208 = tpu.vector_load %arg17[%parallel_loop3A_207] {strides = array<i32>} : memref<128xi32, #tpu.memory_space<vmem>>, vector<16xi32>,
        %parallel_loop3A_209 = arith.index_cast %parallel_loop3A_206 : i32 to index
        %parallel_loop3A_210 = tpu.vector_load %arg18[%parallel_loop3A_209] {strides = array<i32>} : memref<128xi32, #tpu.memory_space<vmem>>, vector<16xi32>,
        %parallel_loop3A_211 = arith.index_cast %parallel_loop3A_206 : i32 to index
        %parallel_loop3A_212 = tpu.vector_load %arg16[%parallel_loop3A_211] {strides = array<i32>} : memref<128xf32, #tpu.memory_space<vmem>>, vector<16xf32>,
        %parallel_loop3A_213 = tpu.vector_load_idx %arg8[%parallel_loop3A_210] : memref<16384xf32, #tpu.memory_space<vmem>>[vector<16xi32>], vector<16xf32>,
        %parallel_loop3A_214 = arith.mulf %parallel_loop3A_212, %parallel_loop3A_213 : vector<16xf32>
        tpu.vector_store_idx %arg9[%parallel_loop3A_208], %parallel_loop3A_214 {add = true} : memref<16384xf32, #tpu.memory_space<vmem>>[vector<16xi32>], vector<16xf32>,
      } {sc.loop_unroll_factor = 4 : i64, sc.parallel_access}
    } else {
    }
    "tpu.region"() ({
      %run_scoped3A = tpu.sem_alloc : memref<!tpu.dma_semaphore, #tpu.memory_space<semaphore_mem>>
      %dma_start3A_200 = arith.constant 0 : i32
      %dma_start3A_201 = tpu.memref_slice %arg7[%add3A, %dma_start3A_200] : memref<32x16384xf32, #tpu.memory_space<hbm>> -> memref<1x16384xf32, #tpu.memory_space<hbm>>
      %dma_start3A_202 = tpu.memref_squeeze %dma_start3A_201 : memref<1x16384xf32, #tpu.memory_space<hbm>> -> memref<16384xf32, #tpu.memory_space<hbm>>
      %dma_start3A_203 = arith.constant 0 : i32
      %dma_start3A_204 = tpu.memref_slice %arg7[%add3A, %dma_start3A_203] : memref<32x16384xf32, #tpu.memory_space<hbm>> -> memref<1x16384xf32, #tpu.memory_space<hbm>>
      %dma_start3A_205 = tpu.memref_squeeze %dma_start3A_204 : memref<1x16384xf32, #tpu.memory_space<hbm>> -> memref<16384xf32, #tpu.memory_space<hbm>>
      tpu.enqueue_dma source(%arg9 : memref<16384xf32, #tpu.memory_space<vmem>>) target(%dma_start3A_205 : memref<16384xf32, #tpu.memory_space<hbm>>) target_semaphore(%run_scoped3A : memref<!tpu.dma_semaphore, #tpu.memory_space<semaphore_mem>>)
      %dma_wait3A_206 = arith.constant 0 : i32
      %dma_wait3A_207 = tpu.memref_slice %arg7[%add3A, %dma_wait3A_206] : memref<32x16384xf32, #tpu.memory_space<hbm>> -> memref<1x16384xf32, #tpu.memory_space<hbm>>
      %dma_wait3A_208 = tpu.memref_squeeze %dma_wait3A_207 : memref<1x16384xf32, #tpu.memory_space<hbm>> -> memref<16384xf32, #tpu.memory_space<hbm>>
      %dma_wait3A_209 = arith.constant 0 : i32
      %dma_wait3A_210 = tpu.memref_slice %arg7[%add3A, %dma_wait3A_209] : memref<32x16384xf32, #tpu.memory_space<hbm>> -> memref<1x16384xf32, #tpu.memory_space<hbm>>
      %dma_wait3A_211 = tpu.memref_squeeze %dma_wait3A_210 : memref<1x16384xf32, #tpu.memory_space<hbm>> -> memref<16384xf32, #tpu.memory_space<hbm>>
      tpu.wait_dma2 semaphore(%run_scoped3A : memref<!tpu.dma_semaphore, #tpu.memory_space<semaphore_mem>>) src(%arg9 : memref<16384xf32, #tpu.memory_space<vmem>>) dst(%dma_wait3A_211 : memref<16384xf32, #tpu.memory_space<hbm>>)
      tpu.yield
    }) : () -> ()
    return
  }
}

module attributes {stable_mosaic.version = 14 : i64} {
  func.func @_tc_reduce_body(%arg0: memref<1xf32, #tpu.memory_space<smem>>, %arg1: memref<32x16384xf32, #tpu.memory_space<vmem>>, %arg2: memref<16384xf32, #tpu.memory_space<vmem>>) attributes {dimension_semantics = [], scalar_prefetch = 0 : i64, scratch_operands = 0 : i64, tpu.core_type = #tpu.core_type<tc>} {
    %get3A = arith.constant 0 : index
    %get3A_0 = arith.constant 0 : index
    %get3A_1 = vector.load %arg1[%get3A, %get3A_0] : memref<32x16384xf32, #tpu.memory_space<vmem>>, vector<32x16384xf32>
    %reduce_sum3A = arith.constant dense<0.000000e+00> : vector<16384xf32>
    %reduce_sum3A_2 = vector.multi_reduction <add>, %get3A_1, %reduce_sum3A [0] : vector<32x16384xf32> to vector<16384xf32>
    %get3A_3 = arith.constant 0 : index
    %get3A_4 = memref.load %arg0[%get3A_3] : memref<1xf32, #tpu.memory_space<smem>>
    %add3A = vector.broadcast %get3A_4 : f32 to vector<16384xf32>
    %add3A_5 = arith.addf %reduce_sum3A_2, %add3A : vector<16384xf32>
    %swap3A = arith.constant 0 : index
    %swap3A_6 = vector.load %arg2[%swap3A] : memref<16384xf32, #tpu.memory_space<vmem>>, vector<16384xf32>
    tpu.vector_store %arg2[%swap3A], %add3A_5 {strides = array<i32>} : memref<16384xf32, #tpu.memory_space<vmem>>, vector<16384xf32>,
    return
  }
}

</mosaic_0001>

<sc_bundles>
// kernel: kernel.4.cloned.1.call-start
scs
__scs_entry_jumppad:
0x0: {  	(pc) =	sbr.rel $0x88, $3  }
0x1: {  	(tag) =	ssettag $0x0;
	lr =	simm.s32 $0x1  }
0x2: {  	[smem:$0x3F9D] =	sst lr;
	_ =	strace $0xD0000000  }
0x3: {  	_ = 	snop  }
0x4: {  	_ = 	snop  }
0x5: {  	_ = 	snop  }
0x6: {  	_ = 	snop  }
0x7: {  	_ = 	snop  }
__scs_overlays_trampoline_lowered:
0x8: {  	[smem:$0x3FAC] =	sst s0  }
0x9: {  	[smem:$0x3FAD] =	sst s1  }
0xa: {  	[smem:$0x3FAE] =	sst s2  }
0xb: {  	[smem:$0x3FAF] =	sst s3  }
0xc: {  	[smem:$0x3FB0] =	sst s4  }
0xd: {  	[smem:$0x3FB1] =	sst s5  }
0xe: {  	[smem:$0x3FB2] =	sst s6  }
0xf: {  	[smem:$0x3FB3] =	sst s7  }
0x10: {  	[smem:$0x3FB4] =	sst s8  }
0x11: {  	[smem:$0x3FB5] =	sst s9;
	s0 =	simm.s32 @!p0 $0x0  }
0x12: {  	s1 =	sld [smem:$0x3F9B];
	s0 =	simm.s32 @p0 $0x1  }
0x13: {  	[smem:$0x3FB6] =	sst s0;
	s0 =	simm.s32 @!p1 $0x0  }
0x14: {  	s2 =	sld [smem:$0x3F9A];
	s0 =	simm.s32 @p1 $0x1  }
0x15: {  	[smem:$0x3FB7] =	sst s0;
	s0 =	simm.s32 @!p2 $0x0  }
0x16: {  	s3 =	sld [smem:$0x3FDB];
	s0 =	simm.s32 @p2 $0x1  }
0x17: {  	s4 =	simm.s32 $0x1BF5;
	[smem:$0x3FB9] =	sst s0  }
0x18: {  	s0 =	sld [smem:$0x3F9C];
	_ =	swait.ge [sflag:s4], $0x0  }
0x19: {  	s7 =	sld [smem:$0x3F9D]  }
0x1a: {  	s8 =	sadd.s32 $0xFFFFE003, lr  }
0x1b: {  	s9 =	sadd.s32 $0xFFFFFEF7, lr;
	s5 =	simm.s32 $0xFFFFFFFF;
	p2 =	slt.u32 s8, $0xFFFFF086  }
0x1c: {  	p1 =	slt.u32 s9, $0xF7A;
	s5 =	simm.s32 @!p2 $0x0  }
0x1d: {  	s5 =	simm.s32 @p1 $0x1;
	p0 =	seq.s32 s7, s2  }
0x1e: {  	s7 =	smul.u32 @!p0 $0xF7A, s2;
	p2 =	seq.s32 @!p0 s5, $0x0  }
0x1f: {  	s9 =	smul.u32 $0xF7A, s1;
	s8 =	simm.s32 @!p0 $0x1BF5;
	p2 =	por !p2, p0  }
0x20: {  	[sflag:s8] =	ssyncset.s32 @!p0 $0xFFFFF086;
	s6 =	sadd.s32 @!p0 s3, s7;
	s7 =	simm.s32 @!p0 $0x108  }
0x21: {  	s3 =	sadd.s32 s3, s9;
	s6 =	sadd.s32 @!p0 $0x88, s6;
	s7 =	simm.s32 @p2 $0x1082  }
0x22: {  	[simem:s7], [sflag:s8] =	dma.local @!p0 [hbm:s6], $0xF7A  }
0x23: {  	s9 =	sor.u32 $0xD0000000, s2;
	s6 =	simm.s32 $0x108;
	_ =	swait.ge @!p0 [sflag:s8], $0x0  }
0x24: {  	s3 =	sadd.s32 $0x88, s3;
	s6 =	simm.s32 @!p1 $0x1082;
	[sflag:s4] =	ssyncset.s32 $0xFFFFF086  }
0x25: {  	[simem:s6], [sflag:s4] =	dma.local [hbm:s3], $0xF7A  }
0x26: {  	[smem:$0x3F9D] =	sst s1;
	(tag) =	ssettag s2;
	_ =	strace s9  }
0x27: {  	s1 =	sld [smem:$0x3FAD]  }
0x28: {  	s2 =	sld [smem:$0x3FAE]  }
0x29: {  	s4 =	sld [smem:$0x3FB0]  }
0x2a: {  	p0 =	seq.s32 s5, $0x0;
	s5 =	sld [smem:$0x3FB1]  }
0x2b: {  	s6 =	sld [smem:$0x3FB2]  }
0x2c: {  	s7 =	sld [smem:$0x3FB3]  }
0x2d: {  	s3 =	simm.s32 $0x108;
	s8 =	sld [smem:$0x3FB4]  }
0x2e: {  	s3 =	simm.s32 @!p0 $0x1082;
	s9 =	sld [smem:$0x3FB5]  }
0x2f: {  	lr =	sadd.s32 s0, s3;
	s0 =	sld [smem:$0x3FAC]  }
0x30: {  	s3 =	sld [smem:$0x3FAF]  }
0x31: {  	[smem:$0x3FB8] =	sst s10  }
0x32: {  	s10 =	sld [smem:$0x3FB6];
	_ =	sdelay $0x3  }
0x33: {  	p0 =	seq.s32 s10, $0x1;
	s10 =	sld [smem:$0x3FB8];
	_ =	sdelay $0x3  }
0x34: {  	[smem:$0x3FB8] =	sst s10  }
0x35: {  	s10 =	sld [smem:$0x3FB7];
	_ =	sdelay $0x3  }
0x36: {  	p1 =	seq.s32 s10, $0x1;
	s10 =	sld [smem:$0x3FB8];
	_ =	sdelay $0x3  }
0x37: {  	[smem:$0x3FB8] =	sst s10  }
0x38: {  	s10 =	sld [smem:$0x3FB9]  }
0x39: {  	_ = 	snop;
	(pc) =	sbr.ind lr, $3  }
0x3a: {  	_ = 	snop  }
0x3b: {  	_ = 	snop  }
0x3c: {  	p2 =	seq.s32 s10, $0x1;
	s10 =	sld [smem:$0x3FB8]  }
0x3d: {  	_ =	shalt  }
0x3e: {  	_ =	shalt  }
0x3f: {  	_ =	shalt  }
0x40: {  	_ =	shalt  }
0x41: {  	_ =	shalt  }
0x42: {  	_ =	shalt  }
0x43: {  	_ =	shalt  }
0x44: {  	_ =	shalt  }
0x45: {  	_ =	shalt  }
0x46: {  	_ =	shalt  }
0x47: {  	_ =	shalt  }
0x48: {  	_ =	shalt  }
0x49: {  	_ =	shalt  }
0x4a: {  	_ =	shalt  }
0x4b: {  	_ =	shalt  }
0x4c: {  	_ =	shalt  }
0x4d: {  	_ =	shalt  }
0x4e: {  	_ =	shalt  }
0x4f: {  	_ =	shalt  }
0x50: {  	_ =	shalt  }
0x51: {  	_ =	shalt  }
0x52: {  	_ =	shalt  }
0x53: {  	_ =	shalt  }
0x54: {  	_ =	shalt  }
0x55: {  	_ =	shalt  }
0x56: {  	_ =	shalt  }
0x57: {  	_ =	shalt  }
0x58: {  	_ =	shalt  }
0x59: {  	_ =	shalt  }
0x5a: {  	_ =	shalt  }
0x5b: {  	_ =	shalt  }
0x5c: {  	_ =	shalt  }
0x5d: {  	_ =	shalt  }
0x5e: {  	_ =	shalt  }
0x5f: {  	_ =	shalt  }
0x60: {  	_ =	shalt  }
0x61: {  	_ =	shalt  }
0x62: {  	_ =	shalt  }
0x63: {  	_ =	shalt  }
0x64: {  	_ =	shalt  }
0x65: {  	_ =	shalt  }
0x66: {  	_ =	shalt  }
0x67: {  	_ =	shalt  }
0x68: {  	_ =	shalt  }
0x69: {  	_ =	shalt  }
0x6a: {  	_ =	shalt  }
0x6b: {  	_ =	shalt  }
0x6c: {  	_ =	shalt  }
0x6d: {  	_ =	shalt  }
0x6e: {  	_ =	shalt  }
0x6f: {  	_ =	shalt  }
0x70: {  	_ =	shalt  }
0x71: {  	_ =	shalt  }
0x72: {  	_ =	shalt  }
0x73: {  	_ =	shalt  }
0x74: {  	_ =	shalt  }
0x75: {  	_ =	shalt  }
0x76: {  	_ =	shalt  }
0x77: {  	_ =	shalt  }
0x78: {  	_ =	shalt  }
0x79: {  	_ =	shalt  }
0x7a: {  	_ =	shalt  }
0x7b: {  	_ =	shalt  }
0x7c: {  	_ =	shalt  }
0x7d: {  	_ =	shalt  }
0x7e: {  	_ =	shalt  }
0x7f: {  	_ =	shalt  }
0x80: {  	_ =	shalt  }
0x81: {  	_ =	shalt  }
0x82: {  	_ =	shalt  }
0x83: {  	_ =	shalt  }
0x84: {  	_ =	shalt  }
0x85: {  	_ =	shalt  }
0x86: {  	_ =	shalt  }
0x87: {  	_ =	shalt  }
.Lfunc_end0:
.L_simem_size_0:
called_computation_lowered:
.L_overlay_start_0:
0x88: {  	s2 =	sld [smem:$0x3FD9]  }
0x89: {  	s3 =	sld [smem:$0x3FFE];
	_ =	sdelay $0x1  }
0x8a: {  	s1 =	srdreg.scid  }
0x8b: {  	s0 =	sand.u32 $0x1, s1  }
0x8c: {  	s17 =	sshll.u32 s0, $0xA;
	s2 =	sadd.s32 s3, s2  }
0x8d: {  	s2 =	sadd.s32 s2, s17  }
0x8e: {  	[smem:$0x3FC4] =	sst s2  }
0x8f: {  	_ = 	snop  }
0x90: {  	s2 =	sld [smem:$0x3FC9]  }
0x91: {  	s18 =	sld [smem:$0x3FC8]  }
0x92: {  	s4 =	sld [smem:$0x3FC7]  }
0x93: {  	s5 =	sld [smem:$0x3FD0];
	(tm) =	ssettm $0x1  }
0x94: {  	s6 =	sld [smem:$0x3FFB];
	_ =	sdelay $0x3  }
0x95: {  	_ =	strace s6  }
0x96: {  	s6 =	sld [smem:$0x3FFC];
	_ =	sdelay $0x3  }
0x97: {  	_ =	strace s6  }
0x98: {  	s6 =	sld [smem:$0x3FFD];
	_ =	sdelay $0x3  }
0x99: {  	_ =	strace s6  }
0x9a: {  	_ =	strace $0x8FFFFFFF  }
0x9b: {  	s19 =	sld [smem:$0x3FDB];
	_ =	sdelay $0x1  }
0x9c: {  	s7 =	simm.s32 $_scs_section_size  }
0x9d: {  	s8 =	simm.s32 $_size__tile_overlayer_lowered;
	s9 =	simm.s32 $_tile_overlayer_lowered  }
0x9e: {  	s22 =	simm.s32 $0x1BFF;
	s21 =	sshll.u32 s9, $0x1;
	s6 =	sadd.s32 s7, s19  }
0x9f: {  	s10 =	simm.s32 $0x0;
	s20 =	sshll.u32 s8, $0x1;
	s8 =	sadd.s32 s21, s6  }
0xa0: {  	[timem:s10], [sflag:s22] =	dma.local [hbm:s8], s20  }
0xa1: {  	_ =	swait.ge [sflag:s22], s20  }
0xa2: {  	s7 =	ssub.s32 $0x0, s20;
	[sflag:s22] =	ssyncset.done $0x0  }
0xa3: {  	[sflag:s22] =	ssyncadd.s32 s7;
	_ =	sdelay $0x1  }
0xa4: {  	s23 =	simm.s32 $0x1B8B  }
0xa5: {  	_ =	swait.ge [sflag:s23], $0x1  }
0xa6: {  	[sflag:s23] =	ssyncset.done $0x0  }
0xa7: {  	s25 =	simm.s32 $0x1B8E;
	s24 =	sld [smem:$0x3FFE];
	[sflag:s23] =	ssyncadd.s32 $0xFFFFFFFF  }
0xa8: {  	s26 =	simm.s32 $execute0_lowered;
	[smem:$0x3FD2] =	sst s25  }
0xa9: {  	s8 =	sshll.u32 s26, $0x1;
	_ =	strace $0x80000046;
	[dreg:$0x1] =	wrdreg $0xFFFFFFFF  }
0xaa: {  	s28 =	simm.s32 $_size_execute0_lowered;
	s6 =	sadd.s32 s6, s8;
	[dreg:$0x0] =	wrdreg $0x0  }
0xab: {  	s8 =	sshll.u32 s28, $0x1;
	[dreg:$0x2] =	wrdreg s6  }
0xac: {  	[dreg:$0x3] =	wrdreg s8  }
0xad: {  	[dreg:$0x4] =	wrdreg $0xC0  }
0xae: {  	_ =	task [dreg:s10], $0x5FFFF  }
0xaf: {  	[dreg:$0x1] =	wrdreg $0xFFFFFFFF  }
0xb0: {  	[dreg:$0x0] =	wrdreg $0x60  }
0xb1: {  	[dreg:$0x2] =	wrdreg s2  }
0xb2: {  	[dreg:$0x3] =	wrdreg s18  }
0xb3: {  	[dreg:$0x4] =	wrdreg s4  }
0xb4: {  	[dreg:$0x5] =	wrdreg s24  }
0xb5: {  	[dreg:$0x6] =	wrdreg s5  }
0xb6: {  	[dreg:$0x7] =	wrdreg $0x9  }
0xb7: {  	_ =	task.clear_ibuf [dreg:s10], $0x8FFFF;
	_ =	strace $0x90000046  }
0xb8: {  	s29 =	simm.s32 $0x9;
	_ =	strace $0x80000048  }
0xb9: {  	_ =	swait.ge [sflag:s29], $0x1  }
0xba: {  	[sflag:s29] =	ssyncadd.s32 $0xFFFFFFFF  }
0xbb: {  	_ =	strace $0x90000048  }
0xbc: {  	_ =	sfence  }
0xbd: {  	s30 =	sld [smem:$0x0];
	_ =	sdelay $0x2  }
0xbe: {  	s31 =	sshll.u32 s1, $0xD;
	s1 =	sshrl.u32 s1, $0x2  }
0xbf: {  	s3 =	sand.u32 $0x4000, s31;
	s1 =	sadd.s32 s1, s30  }
0xc0: {  	s0 =	sor.u32 s3, s0;
	s1 =	sshll.u32 s1, $0x11  }
0xc1: {  	s0 =	sor.u32 s1, s0  }
0xc2: {  	s0 =	sadd.s32 $0x8F2B, s0  }
0xc3: {  	[sflag:s0] =	ssyncadd.remote.s32 $0x1  }
0xc4: {  	_ =	sfence.sel $0xFFFF  }
0xc5: {  	[dreg:$0x0] =	wrdreg $0xFFFFFFFF;
	(pc) =	sbr.abs _section_cstart, $3  }
0xc6: {  	[dreg:$0x1] =	wrdreg $0xFFFFFFFF  }
0xc7: {  	_ =	task.clear_ibuf [dreg:s10], $0x2FFFF;
	_ =	strace $0x9FFFFFFF  }
0xc8: {  	(tm) =	ssettm $0x7FFFFFFF  }
0xc9: {  	_ =	shalt  }
tec
execute0_lowered:
.L_overlay_start_1:
0x0: {  	(tag) =	ssettag $0x1  }
0x1: {  	s1 =	rddreg [dreg:$0x0]  }
0x2: {  	s2 =	rddreg [dreg:$0x1]  }
0x3: {  	s0 =	rddreg [dreg:$0x3]  }
0x4: {  	s7 =	stileid.u32;
	s3 =	srdreg.scid  }
0x5: {  	s12 =	rddreg [dreg:$0x4];
	s6 =	simm.s32 $0x0;
	s28 =	simm.s32 $0xC000  }
0x6: {  	s29 =	simm.s32 $0x2;
	s30 =	simm.s32 $0x9000;
	s31 =	simm.s32 $0xB000  }
0x7: {  	s3 =	sand.u32 $0x1, s3;
	s4 =	sshll.u32 s7, $0x1;
	[smem:$0x7FF] =	sst s6  }
0x8: {  	s7 =	sshll.u32 s7, $0xC;
	s8 =	sadd.s32 $0x600, s0;
	s26 =	sadd.s32 $0x10, s12  }
0x9: {  	s4 =	sor.u32 s3, s4;
	_ =	strace $0x80000047;
	[dreg:$0x6] =	wrdreg s8  }
0xa: {  	s7 =	sand.u32 $0xC000, s7;
	s3 =	ssub.s32 $0x2, s3;
	[dreg:$0xc] =	wrdreg s26  }
0xb: {  	s26 =	simm.s32 $0xA000;
	s5 =	smul.u32 $0x51EB, s4;
	s0 =	sadd.s32 s7, s0  }
0xc: {  	s15 =	sshrl.u32 s3, $0x1;
	s11 =	sshll.u32 s4, $0x4;
	p2 =	sne.s32 s4, $0x0  }
0xd: {  	s4 =	simm.s32 $0xD000;
	s3 =	ssub.s32 s3, s15;
	s25 =	sand.u32 $0x70, s11  }
0xe: {  	s14 =	sadd.s32 $0x51EB, s5;
	s9 =	sshrl.u32 s5, $0x5;
	s10 =	sshrl.u32 s5, $0x1  }
0xf: {  	s5 =	sand.u32 $0xFFFE0, s5;
	s0 =	sadd.s32 s25, s0;
	s25 =	simm.s32 $0x100  }
0x10: {  	s8 =	sshrl.u32 s14, $0x5;
	s17 =	sand.u32 $0x7FFF0, s10;
	s18 =	sadd.s32 s2, s5  }
0x11: {  	s10 =	sadd.s32 $0x10, s2;
	s8 =	ssub.s32 s8, s9;
	[dreg:$0x8] =	wrdreg s18  }
0x12: {  	s5 =	sadd.s32 s5, s10;
	s16 =	sshll.u32 s8, $0x7;
	s8 =	sshll.u32 s9, $0x7  }
0x13: {  	s9 =	sadd.s32 s1, s17;
	[dreg:$0x9] =	wrdreg s5;
	s7 =	sadd.s32 $0xFFFEC000, s16  }
0x14: {  	[dreg:$0x7] =	wrdreg s9;
	s19 =	sadd.s32 $0x13000, s8;
	s13 =	sadd.s32 $0x2000, s8  }
0x15: {  	s22 =	sadd.s32 $0x14000, s8;
	s20 =	sshrl.u32 s19, $0x3;
	s5 =	sshrl.u32 s19, $0x2  }
0x16: {  	s23 =	sshrl.u32 s22, $0x3;
	s24 =	sshrl.u32 s22, $0x2;
	p0 =	seq.s32 s7, $0x780  }
0x17: {  	s22 =	smax.u32 s3, $0x1;
	p1 =	sne.s32 s7, $0x800;
	s3 =	simm.s32 $0x0  }
0x18: {  	s9 =	sadd.s32 s1, s20;
	s21 =	sadd.s32 s2, s5;
	s16 =	sadd.s32 s5, s10  }
0x19: {  	s17 =	sadd.s32 s1, s23;
	s18 =	sadd.s32 s2, s24;
	s19 =	sadd.s32 s24, s10  }
.Ltmp0:
0x1a: {  	s23 =	simm.s32 $0x8000;
	p3 =	sne.s32 @!p0 s7, $0x800;
	(pc) =	sbr.rel .LBB2_1-.Ltmp0, $4  }
0x1b: {  	s24 =	simm.s32 $0x80;
	s5 =	simm.s32 $0x4000;
	s7 =	simm.s32 $0x3  }
0x1c: {  	[dreg:$0xb] =	wrdreg s21;
	s21 =	sadd.s32 $0x800, s0;
	s0 =	simm.s32 @!p1 $0x0  }
0x1d: {  	[dreg:$0xa] =	wrdreg s9;
	p4 =	por p3, p0;
	s0 =	simm.s32 @p1 $0x1  }
0x1e: {  	v0 =	vimm.f32 $0.0e+00;
	p5 =	por !p3, p0;
	[smem:$0x7FD] =	sst s0;
	s0 =	simm.s32 $0x1  }
.LBB2_21:
.Ltmp1:
0x1f: {  	(pc) =	sbr.rel @!p2 .LBB2_22-.Ltmp1, $1  }
0x20: {  	_ =	sdelay $0x3  }
.LBB2_24:
0x21: {  	s3 =	sadd.s32 $0x1, s3  }
0x22: {  	p3 =	sne.s32 s3, s22  }
.Ltmp2:
0x23: {  	s9 =	simm.s32 $0x400;
	(pc) =	sbr.rel @!p3 .LBB2_25-.Ltmp2, $4  }
0x24: {  	[hbm4b:s21+s24] =	stream.strided.scatter [tilespmem:s5], [sflag:$0x3], $0x4000, s9, s24, $0x38;
	[tilespmem:$0xE180] =	vst v63  }
0x25: {  	_ =	swait.ge [sflag:s7], $0x4000  }
0x26: {  	[sflag:s7] =	ssyncset.done $0x0  }
0x27: {  	[sflag:s7] =	ssyncadd.s32 $0xFFFFC000  }
.LBB2_1:
0x28: {  	s9 =	rddreg [dreg:$0x7]  }
0x29: {  	[tilespmem:s23], [sflag:$0x1] =	stream.linear.gather [hbm4b:s9+s6], $0x1000, $0x38;
	[tilespmem:$0xE180] =	vst v63  }
0x2a: {  	s14 =	rddreg [dreg:$0x8]  }
0x2b: {  	[tilespmem:s26], [sflag:$0x1] =	stream.strided.gather [hbm4b:s14+s24], $0x1000, s25, s24, $0x38;
	[tilespmem:$0xE180] =	vst v63  }
0x2c: {  	s15 =	rddreg [dreg:$0x9]  }
0x2d: {  	[tilespmem:s28], [sflag:$0x1] =	stream.strided.gather [hbm4b:s15+s24], $0x1000, s25, s24, $0x38;
	[tilespmem:$0xE180] =	vst v63  }
0x2e: {  	s20 =	rddreg [dreg:$0x2];
	s9 =	simm.s32 $0x4040  }
0x2f: {  	[tilespmem:s6], [sflag:$0x2] =	stream.linear.gather [hbm4b:s20+s6], $0x4000, $0x38;
	[tilespmem:$0xE180] =	vst v63  }
0x30: {  	[tilespmem:s9+$0xFFFFFFC0] =	vst v0  }
0x31: {  	[tilespmem:s9+$0x30] =	vst v0  }
0x32: {  	[tilespmem:s9+$0x20] =	vst v0  }
0x33: {  	[tilespmem:s9+$0x10] =	vst v0  }
0x34: {  	[tilespmem:s9+$0x0] =	vst v0  }
0x35: {  	[tilespmem:s9+$0xFFFFFFF0] =	vst v0  }
0x36: {  	s11 =	simm.s32 $0x0;
	[tilespmem:s9+$0xFFFFFFE0] =	vst v0  }
.LBB2_2:
0x37: {  	s11 =	sadd.s32 $0x8, s11;
	[tilespmem:s9+$0xFFFFFFD0] =	vst v0;
	s9 =	sadd.s32 $0x80, s9  }
0x38: {  	[tilespmem:s9+$0xFFFFFFC0] =	vst v0;
	p3 =	slt.u32 s11, $0x3F8  }
0x39: {  	[tilespmem:s9+$0x30] =	vst v0  }
.Ltmp3:
0x3a: {  	[tilespmem:s9+$0x20] =	vst v0;
	(pc) =	sbr.rel @p3 .LBB2_2-.Ltmp3, $4  }
0x3b: {  	[tilespmem:s9+$0x10] =	vst v0  }
0x3c: {  	[tilespmem:s9+$0x0] =	vst v0  }
0x3d: {  	[tilespmem:s9+$0xFFFFFFF0] =	vst v0  }
0x3e: {  	[tilespmem:s9+$0xFFFFFFE0] =	vst v0  }
0x3f: {  	[tilespmem:s9+$0xFFFFFFD0] =	vst v0  }
0x40: {  	_ =	swait.ge [sflag:s29], $0x4000  }
0x41: {  	[sflag:s29] =	ssyncset.done $0x0  }
0x42: {  	s20 =	simm.s32 $0x0;
	[sflag:s29] =	ssyncadd.s32 $0xFFFFC000  }
.LBB2_4:
0x43: {  	s9 =	sshll.u32 s20, $0xD  }
0x44: {  	s11 =	sadd.s32 s9, s8  }
0x45: {  	s11 =	sadd.s32 $0x1000, s11  }
0x46: {  	s12 =	sshrl.u32 s11, $0x3  }
0x47: {  	s11 =	sshrl.u32 s11, $0x2;
	s12 =	sadd.s32 s1, s12  }
0x48: {  	[tilespmem:s30], [sflag:$0x2] =	stream.linear.gather [hbm4b:s12+s6], $0x1000, $0x38;
	[tilespmem:$0xE180] =	vst v63  }
0x49: {  	s15 =	sadd.s32 s2, s11  }
0x4a: {  	[tilespmem:s31], [sflag:$0x2] =	stream.strided.gather [hbm4b:s15+s24], $0x1000, s25, s24, $0x38;
	[tilespmem:$0xE180] =	vst v63  }
0x4b: {  	s11 =	sadd.s32 s11, s10  }
0x4c: {  	[tilespmem:s4], [sflag:$0x2] =	stream.strided.gather [hbm4b:s11+s24], $0x1000, s25, s24, $0x38;
	[tilespmem:$0xE180] =	vst v63  }
0x4d: {  	_ =	swait.ge [sflag:s0], $0x1000  }
0x4e: {  	[sflag:s0] =	ssyncset.done $0x0  }
0x4f: {  	[sflag:s0] =	ssyncadd.s32 $0xFFFFF000  }
0x50: {  	_ =	swait.ge [sflag:s0], $0x1000  }
0x51: {  	[sflag:s0] =	ssyncset.done $0x0  }
0x52: {  	[sflag:s0] =	ssyncadd.s32 $0xFFFFF000  }
0x53: {  	_ =	swait.ge [sflag:s0], $0x1000  }
0x54: {  	[sflag:s0] =	ssyncset.done $0x0  }
0x55: {  	s14 =	simm.s32 $0xC040;
	[sflag:s0] =	ssyncadd.s32 $0xFFFFF000  }
0x56: {  	v1 =	vld [tilespmem:s14+$0x30]  }
0x57: {  	v2 =	vld [tilespmem:s14+$0xFFFFFFD0]  }
0x58: {  	v3 =	vld [tilespmem:s14+$0xFFFFFFE0]  }
0x59: {  	v4 =	vld [tilespmem:s14+$0xFFFFFFF0]  }
0x5a: {  	v5 =	vld [tilespmem:s14+$0x0]  }
0x5b: {  	s11 =	simm.s32 $0xA040;
	v6 =	vld [tilespmem:s14+$0x10]  }
0x5c: {  	s12 =	simm.s32 $0x8040;
	v7 =	vld [tilespmem:s11+$0x30]  }
0x5d: {  	v8 =	vld [tilespmem:s12+$0x30]  }
0x5e: {  	v9 =	vld [tilespmem:s14+$0x20]  }
0x5f: {  	v10 =	vld [tilespmem:s14+$0xFFFFFFC0]  }
0x60: {  	v56 =	vld [tilespmem:s11+$0xFFFFFFD0]  }
0x61: {  	v57 =	vld [tilespmem:s12+$0xFFFFFFD0]  }
0x62: {  	v58 =	vld [tilespmem:s12+$0xFFFFFFE0]  }
0x63: {  	v11 =	vld [tilespmem:s12+$0xFFFFFFF0]  }
0x64: {  	v12 =	vld [tilespmem:s11+$0xFFFFFFE0]  }
0x65: {  	v13 =	vld [tilespmem:s12+$0x0]  }
0x66: {  	v14 =	vld [tilespmem:s12+$0x10]  }
0x67: {  	v59 =	vld [tilespmem:s11+$0xFFFFFFF0]  }
0x68: {  	v60 =	vld [tilespmem:s11+$0x0]  }
0x69: {  	v61 =	vld [tilespmem:s11+$0x20]  }
0x6a: {  	v62 =	vld [tilespmem:s12+$0x20]  }
0x6b: {  	v1 =	vld.idx.msk [tilespmem:v1+s6+$0x0], $0xffff  }
0x6c: {  	v2 =	vld.idx.msk [tilespmem:v2+s6+$0x0], $0xffff  }
0x6d: {  	v15 =	vld [tilespmem:s12+$0xFFFFFFC0]  }
0x6e: {  	v3 =	vld.idx.msk [tilespmem:v3+s6+$0x0], $0xffff  }
0x6f: {  	v4 =	vld.idx.msk [tilespmem:v4+s6+$0x0], $0xffff  }
0x70: {  	v5 =	vld.idx.msk [tilespmem:v5+s6+$0x0], $0xffff;
	v1 =	vmul.f32 v1, v8  }
0x71: {  	v55 =	vld.idx.msk [tilespmem:v9+s6+$0x0], $0xffff;
	v2 =	vmul.f32 v2, v57  }
0x72: {  	[tilespmem:v7+s5+$0x0] =	vst.idx.add.f32.msk $0xffff, v1  }
0x73: {  	[tilespmem:v56+s5+$0x0] =	vst.idx.add.f32.msk $0xffff, v2  }
0x74: {  	v2 =	vmul.f32 v3, v58;
	v3 =	vld [tilespmem:s11+$0x10]  }
0x75: {  	v4 =	vmul.f32 v4, v11;
	v1 =	vld.idx.msk [tilespmem:v6+s6+$0x0], $0xffff  }
0x76: {  	v10 =	vld.idx.msk [tilespmem:v10+s6+$0x0], $0xffff;
	v5 =	vmul.f32 v5, v13  }
0x77: {  	v63 =	vmul.f32 v55, v62;
	[tilespmem:v59+s5+$0x0] =	vst.idx.add.f32.msk $0xffff, v4  }
0x78: {  	[tilespmem:v60+s5+$0x0] =	vst.idx.add.f32.msk $0xffff, v5  }
0x79: {  	[tilespmem:v61+s5+$0x0] =	vst.idx.add.f32.msk $0xffff, v63  }
0x7a: {  	[tilespmem:v12+s5+$0x0] =	vst.idx.add.f32.msk $0xffff, v2;
	v1 =	vmul.f32 v1, v14  }
0x7b: {  	v2 =	vld [tilespmem:s11+$0xFFFFFFC0]  }
0x7c: {  	s15 =	simm.s32 $0xC0C0;
	s14 =	simm.s32 $0x0;
	[tilespmem:v3+s5+$0x0] =	vst.idx.add.f32.msk $0xffff, v1;
	v1 =	vmul.f32 v10, v15  }
.LBB2_5:
0x7d: {  	v3 =	vld [tilespmem:s15+$0x30];
	s14 =	sadd.s32 $0x8, s14  }
0x7e: {  	v4 =	vld [tilespmem:s15+$0xFFFFFFC0];
	p6 =	slt.u32 s14, $0xF8  }
0x7f: {  	v5 =	vld [tilespmem:s15+$0xFFFFFFD0]  }
0x80: {  	v6 =	vld [tilespmem:s15+$0xFFFFFFE0]  }
0x81: {  	v7 =	vld [tilespmem:s15+$0xFFFFFFF0]  }
0x82: {  	v8 =	vld [tilespmem:s15+$0x0]  }
0x83: {  	s11 =	sadd.s32 $0x80, s11;
	v9 =	vld [tilespmem:s15+$0x10]  }
0x84: {  	v10 =	vld [tilespmem:s11+$0x30]  }
0x85: {  	s12 =	sadd.s32 $0x80, s12;
	v3 =	vld.idx.msk [tilespmem:v3+s6+$0x0], $0xffff  }
0x86: {  	v11 =	vld [tilespmem:s12+$0x30]  }
0x87: {  	v12 =	vld [tilespmem:s15+$0x20]  }
0x88: {  	v4 =	vld.idx.msk [tilespmem:v4+s6+$0x0], $0xffff  }
0x89: {  	v5 =	vld.idx.msk [tilespmem:v5+s6+$0x0], $0xffff  }
0x8a: {  	v6 =	vld.idx.msk [tilespmem:v6+s6+$0x0], $0xffff  }
0x8b: {  	v7 =	vld.idx.msk [tilespmem:v7+s6+$0x0], $0xffff;
	v3 =	vmul.f32 v3, v11  }
0x8c: {  	v8 =	vld.idx.msk [tilespmem:v8+s6+$0x0], $0xffff  }
0x8d: {  	[tilespmem:v10+s5+$0x0] =	vst.idx.add.f32.msk $0xffff, v3  }
0x8e: {  	v3 =	vld.idx.msk [tilespmem:v9+s6+$0x0], $0xffff  }
0x8f: {  	v9 =	vld.idx.msk [tilespmem:v12+s6+$0x0], $0xffff  }
0x90: {  	v10 =	vld [tilespmem:s12+$0xFFFFFFC0]  }
0x91: {  	v11 =	vld [tilespmem:s12+$0xFFFFFFD0]  }
0x92: {  	v12 =	vld [tilespmem:s12+$0xFFFFFFE0]  }
0x93: {  	v13 =	vld [tilespmem:s12+$0xFFFFFFF0]  }
0x94: {  	v14 =	vld [tilespmem:s12+$0x0]  }
0x95: {  	v4 =	vmul.f32 v4, v10;
	v10 =	vld [tilespmem:s12+$0x10]  }
0x96: {  	v5 =	vmul.f32 v5, v11;
	v11 =	vld [tilespmem:s12+$0x20]  }
0x97: {  	v15 =	vld [tilespmem:s11+$0xFFFFFFD0];
	v6 =	vmul.f32 v6, v12  }
0x98: {  	v12 =	vld [tilespmem:s11+$0xFFFFFFE0];
	v7 =	vmul.f32 v7, v13  }
0x99: {  	v13 =	vld [tilespmem:s11+$0xFFFFFFF0];
	v8 =	vmul.f32 v8, v14  }
0x9a: {  	v14 =	vld [tilespmem:s11+$0x0];
	v3 =	vmul.f32 v3, v10  }
0x9b: {  	v10 =	vld [tilespmem:s11+$0x10];
	v9 =	vmul.f32 v9, v11  }
0x9c: {  	v11 =	vld [tilespmem:s11+$0x20]  }
0x9d: {  	v16 =	vld [tilespmem:s11+$0xFFFFFFC0]  }
0x9e: {  	[tilespmem:v2+s5+$0x0] =	vst.idx.add.f32.msk $0xffff, v1;
	v1 =	vmov v4  }
0x9f: {  	[tilespmem:v15+s5+$0x0] =	vst.idx.add.f32.msk $0xffff, v5  }
.Ltmp4:
0xa0: {  	[tilespmem:v12+s5+$0x0] =	vst.idx.add.f32.msk $0xffff, v6;
	(pc) =	sbr.rel @p6 .LBB2_5-.Ltmp4, $4  }
0xa1: {  	[tilespmem:v13+s5+$0x0] =	vst.idx.add.f32.msk $0xffff, v7  }
0xa2: {  	[tilespmem:v14+s5+$0x0] =	vst.idx.add.f32.msk $0xffff, v8;
	v2 =	vmov v16  }
0xa3: {  	[tilespmem:v10+s5+$0x0] =	vst.idx.add.f32.msk $0xffff, v3  }
0xa4: {  	s15 =	sadd.s32 $0x80, s15;
	[tilespmem:v11+s5+$0x0] =	vst.idx.add.f32.msk $0xffff, v9  }
0xa5: {  	_ =	sdelay $0x1  }
0xa6: {  	s9 =	sadd.s32 s9, s13  }
0xa7: {  	s11 =	sshrl.u32 s9, $0x3  }
0xa8: {  	[tilespmem:v2+s5+$0x0] =	vst.idx.add.f32.msk $0xffff, v1;
	s9 =	sshrl.u32 s9, $0x2;
	s11 =	sadd.s32 s1, s11  }
0xa9: {  	[tilespmem:s23], [sflag:$0x1] =	stream.linear.gather [hbm4b:s11+s6], $0x1000, $0x38;
	[tilespmem:$0xE180] =	vst v63  }
0xaa: {  	s15 =	sadd.s32 s2, s9  }
0xab: {  	[tilespmem:s26], [sflag:$0x1] =	stream.strided.gather [hbm4b:s15+s24], $0x1000, s25, s24, $0x38;
	[tilespmem:$0xE180] =	vst v63  }
0xac: {  	s9 =	sadd.s32 s9, s10  }
0xad: {  	[tilespmem:s28], [sflag:$0x1] =	stream.strided.gather [hbm4b:s9+s24], $0x1000, s25, s24, $0x38;
	[tilespmem:$0xE180] =	vst v63  }
0xae: {  	_ =	swait.ge [sflag:s29], $0x1000  }
0xaf: {  	[sflag:s29] =	ssyncset.done $0x0  }
0xb0: {  	[sflag:s29] =	ssyncadd.s32 $0xFFFFF000  }
0xb1: {  	_ =	swait.ge [sflag:s29], $0x1000  }
0xb2: {  	[sflag:s29] =	ssyncset.done $0x0  }
0xb3: {  	[sflag:s29] =	ssyncadd.s32 $0xFFFFF000  }
0xb4: {  	_ =	swait.ge [sflag:s29], $0x1000  }
0xb5: {  	[sflag:s29] =	ssyncset.done $0x0  }
0xb6: {  	s12 =	simm.s32 $0xD040;
	[sflag:s29] =	ssyncadd.s32 $0xFFFFF000  }
0xb7: {  	v1 =	vld [tilespmem:s12+$0x30]  }
0xb8: {  	v2 =	vld [tilespmem:s12+$0xFFFFFFD0]  }
0xb9: {  	v3 =	vld [tilespmem:s12+$0xFFFFFFE0]  }
0xba: {  	v4 =	vld [tilespmem:s12+$0xFFFFFFF0]  }
0xbb: {  	v5 =	vld [tilespmem:s12+$0x0]  }
0xbc: {  	s9 =	simm.s32 $0xB040;
	v6 =	vld [tilespmem:s12+$0x10]  }
0xbd: {  	s11 =	simm.s32 $0x9040;
	v7 =	vld [tilespmem:s9+$0x30]  }
0xbe: {  	v8 =	vld [tilespmem:s11+$0x30]  }
0xbf: {  	v9 =	vld [tilespmem:s12+$0x20]  }
0xc0: {  	v10 =	vld [tilespmem:s12+$0xFFFFFFC0]  }
0xc1: {  	v56 =	vld [tilespmem:s9+$0xFFFFFFD0]  }
0xc2: {  	v57 =	vld [tilespmem:s11+$0xFFFFFFD0]  }
0xc3: {  	v58 =	vld [tilespmem:s11+$0xFFFFFFE0]  }
0xc4: {  	v11 =	vld [tilespmem:s11+$0xFFFFFFF0]  }
0xc5: {  	v12 =	vld [tilespmem:s9+$0xFFFFFFE0]  }
0xc6: {  	v13 =	vld [tilespmem:s11+$0x0]  }
0xc7: {  	v14 =	vld [tilespmem:s11+$0x10]  }
0xc8: {  	v59 =	vld [tilespmem:s9+$0xFFFFFFF0]  }
0xc9: {  	v60 =	vld [tilespmem:s9+$0x0]  }
0xca: {  	v61 =	vld [tilespmem:s9+$0x20]  }
0xcb: {  	v62 =	vld [tilespmem:s11+$0x20]  }
0xcc: {  	v1 =	vld.idx.msk [tilespmem:v1+s6+$0x0], $0xffff  }
0xcd: {  	v2 =	vld.idx.msk [tilespmem:v2+s6+$0x0], $0xffff  }
0xce: {  	v15 =	vld [tilespmem:s11+$0xFFFFFFC0]  }
0xcf: {  	v3 =	vld.idx.msk [tilespmem:v3+s6+$0x0], $0xffff  }
0xd0: {  	v4 =	vld.idx.msk [tilespmem:v4+s6+$0x0], $0xffff  }
0xd1: {  	v5 =	vld.idx.msk [tilespmem:v5+s6+$0x0], $0xffff;
	v1 =	vmul.f32 v1, v8  }
0xd2: {  	v55 =	vld.idx.msk [tilespmem:v9+s6+$0x0], $0xffff;
	v2 =	vmul.f32 v2, v57  }
0xd3: {  	[tilespmem:v7+s5+$0x0] =	vst.idx.add.f32.msk $0xffff, v1  }
0xd4: {  	[tilespmem:v56+s5+$0x0] =	vst.idx.add.f32.msk $0xffff, v2  }
0xd5: {  	v2 =	vmul.f32 v3, v58;
	v3 =	vld [tilespmem:s9+$0x10]  }
0xd6: {  	v4 =	vmul.f32 v4, v11;
	v1 =	vld.idx.msk [tilespmem:v6+s6+$0x0], $0xffff  }
0xd7: {  	v10 =	vld.idx.msk [tilespmem:v10+s6+$0x0], $0xffff;
	v5 =	vmul.f32 v5, v13  }
0xd8: {  	v63 =	vmul.f32 v55, v62;
	[tilespmem:v59+s5+$0x0] =	vst.idx.add.f32.msk $0xffff, v4  }
0xd9: {  	[tilespmem:v60+s5+$0x0] =	vst.idx.add.f32.msk $0xffff, v5  }
0xda: {  	[tilespmem:v61+s5+$0x0] =	vst.idx.add.f32.msk $0xffff, v63  }
0xdb: {  	[tilespmem:v12+s5+$0x0] =	vst.idx.add.f32.msk $0xffff, v2;
	v1 =	vmul.f32 v1, v14  }
0xdc: {  	v2 =	vld [tilespmem:s9+$0xFFFFFFC0]  }
0xdd: {  	s14 =	simm.s32 $0xD0C0;
	s12 =	simm.s32 $0x0;
	[tilespmem:v3+s5+$0x0] =	vst.idx.add.f32.msk $0xffff, v1;
	v1 =	vmul.f32 v10, v15  }
.LBB2_7:
0xde: {  	v3 =	vld [tilespmem:s14+$0x30];
	s12 =	sadd.s32 $0x8, s12  }
0xdf: {  	v4 =	vld [tilespmem:s14+$0xFFFFFFC0];
	p6 =	slt.u32 s12, $0xF8  }
0xe0: {  	v5 =	vld [tilespmem:s14+$0xFFFFFFD0]  }
0xe1: {  	v6 =	vld [tilespmem:s14+$0xFFFFFFE0]  }
0xe2: {  	v7 =	vld [tilespmem:s14+$0xFFFFFFF0]  }
0xe3: {  	v8 =	vld [tilespmem:s14+$0x0]  }
0xe4: {  	s9 =	sadd.s32 $0x80, s9;
	v9 =	vld [tilespmem:s14+$0x10]  }
0xe5: {  	v10 =	vld [tilespmem:s9+$0x30]  }
0xe6: {  	s11 =	sadd.s32 $0x80, s11;
	v3 =	vld.idx.msk [tilespmem:v3+s6+$0x0], $0xffff  }
0xe7: {  	v11 =	vld [tilespmem:s11+$0x30]  }
0xe8: {  	v12 =	vld [tilespmem:s14+$0x20]  }
0xe9: {  	v4 =	vld.idx.msk [tilespmem:v4+s6+$0x0], $0xffff  }
0xea: {  	v5 =	vld.idx.msk [tilespmem:v5+s6+$0x0], $0xffff  }
0xeb: {  	v6 =	vld.idx.msk [tilespmem:v6+s6+$0x0], $0xffff  }
0xec: {  	v7 =	vld.idx.msk [tilespmem:v7+s6+$0x0], $0xffff;
	v3 =	vmul.f32 v3, v11  }
0xed: {  	v8 =	vld.idx.msk [tilespmem:v8+s6+$0x0], $0xffff  }
0xee: {  	[tilespmem:v10+s5+$0x0] =	vst.idx.add.f32.msk $0xffff, v3  }
0xef: {  	v3 =	vld.idx.msk [tilespmem:v9+s6+$0x0], $0xffff  }
0xf0: {  	v9 =	vld.idx.msk [tilespmem:v12+s6+$0x0], $0xffff  }
0xf1: {  	v10 =	vld [tilespmem:s11+$0xFFFFFFC0]  }
0xf2: {  	v11 =	vld [tilespmem:s11+$0xFFFFFFD0]  }
0xf3: {  	v12 =	vld [tilespmem:s11+$0xFFFFFFE0]  }
0xf4: {  	v13 =	vld [tilespmem:s11+$0xFFFFFFF0]  }
0xf5: {  	v14 =	vld [tilespmem:s11+$0x0]  }
0xf6: {  	v4 =	vmul.f32 v4, v10;
	v10 =	vld [tilespmem:s11+$0x10]  }
0xf7: {  	v5 =	vmul.f32 v5, v11;
	v11 =	vld [tilespmem:s11+$0x20]  }
0xf8: {  	v15 =	vld [tilespmem:s9+$0xFFFFFFD0];
	v6 =	vmul.f32 v6, v12  }
0xf9: {  	v12 =	vld [tilespmem:s9+$0xFFFFFFE0];
	v7 =	vmul.f32 v7, v13  }
0xfa: {  	v13 =	vld [tilespmem:s9+$0xFFFFFFF0];
	v8 =	vmul.f32 v8, v14  }
0xfb: {  	v14 =	vld [tilespmem:s9+$0x0];
	v3 =	vmul.f32 v3, v10  }
0xfc: {  	v10 =	vld [tilespmem:s9+$0x10];
	v9 =	vmul.f32 v9, v11  }
0xfd: {  	v11 =	vld [tilespmem:s9+$0x20]  }
0xfe: {  	v16 =	vld [tilespmem:s9+$0xFFFFFFC0]  }
0xff: {  	[tilespmem:v2+s5+$0x0] =	vst.idx.add.f32.msk $0xffff, v1;
	v1 =	vmov v4  }
0x100: {  	[tilespmem:v15+s5+$0x0] =	vst.idx.add.f32.msk $0xffff, v5  }
.Ltmp5:
0x101: {  	[tilespmem:v12+s5+$0x0] =	vst.idx.add.f32.msk $0xffff, v6;
	(pc) =	sbr.rel @p6 .LBB2_7-.Ltmp5, $4  }
0x102: {  	[tilespmem:v13+s5+$0x0] =	vst.idx.add.f32.msk $0xffff, v7  }
0x103: {  	[tilespmem:v14+s5+$0x0] =	vst.idx.add.f32.msk $0xffff, v8;
	v2 =	vmov v16  }
0x104: {  	[tilespmem:v10+s5+$0x0] =	vst.idx.add.f32.msk $0xffff, v3  }
0x105: {  	s14 =	sadd.s32 $0x80, s14;
	[tilespmem:v11+s5+$0x0] =	vst.idx.add.f32.msk $0xffff, v9  }
0x106: {  	s20 =	sadd.s32 $0x1, s20  }
0x107: {  	p3 =	sne.s32 s20, $0x9  }
.Ltmp6:
0x108: {  	_ = 	snop;
	(pc) =	sbr.rel @p3 .LBB2_4-.Ltmp6, $2  }
0x109: {  	_ =	sdelay $0x2  }
0x10a: {  	[tilespmem:v2+s5+$0x0] =	vst.idx.add.f32.msk $0xffff, v1  }
0x10b: {  	s9 =	rddreg [dreg:$0xa]  }
0x10c: {  	[tilespmem:s30], [sflag:$0x2] =	stream.linear.gather [hbm4b:s9+s6], $0x1000, $0x38;
	[tilespmem:$0xE180] =	vst v63  }
0x10d: {  	s20 =	rddreg [dreg:$0xb]  }
0x10e: {  	[tilespmem:s31], [sflag:$0x2] =	stream.strided.gather [hbm4b:s20+s24], $0x1000, s25, s24, $0x38;
	[tilespmem:$0xE180] =	vst v63  }
0x10f: {  	_ = 	snop  }
0x110: {  	[tilespmem:s4], [sflag:$0x2] =	stream.strided.gather [hbm4b:s16+s24], $0x1000, s25, s24, $0x38;
	[tilespmem:$0xE180] =	vst v63  }
0x111: {  	_ =	swait.ge [sflag:s0], $0x1000  }
0x112: {  	[sflag:s0] =	ssyncset.done $0x0  }
0x113: {  	[sflag:s0] =	ssyncadd.s32 $0xFFFFF000  }
0x114: {  	_ =	swait.ge [sflag:s0], $0x1000  }
0x115: {  	[sflag:s0] =	ssyncset.done $0x0  }
0x116: {  	[sflag:s0] =	ssyncadd.s32 $0xFFFFF000  }
0x117: {  	_ =	swait.ge [sflag:s0], $0x1000  }
0x118: {  	[sflag:s0] =	ssyncset.done $0x0  }
0x119: {  	s12 =	simm.s32 $0xC040;
	[sflag:s0] =	ssyncadd.s32 $0xFFFFF000  }
0x11a: {  	v1 =	vld [tilespmem:s12+$0x30]  }
0x11b: {  	v2 =	vld [tilespmem:s12+$0xFFFFFFD0]  }
0x11c: {  	v3 =	vld [tilespmem:s12+$0xFFFFFFE0]  }
0x11d: {  	v4 =	vld [tilespmem:s12+$0xFFFFFFF0]  }
0x11e: {  	v5 =	vld [tilespmem:s12+$0x0]  }
0x11f: {  	s9 =	simm.s32 $0xA040;
	v6 =	vld [tilespmem:s12+$0x10]  }
0x120: {  	s11 =	simm.s32 $0x8040;
	v7 =	vld [tilespmem:s9+$0x30]  }
0x121: {  	v8 =	vld [tilespmem:s11+$0x30]  }
0x122: {  	v9 =	vld [tilespmem:s12+$0x20]  }
0x123: {  	v10 =	vld [tilespmem:s12+$0xFFFFFFC0]  }
0x124: {  	v56 =	vld [tilespmem:s9+$0xFFFFFFD0]  }
0x125: {  	v57 =	vld [tilespmem:s11+$0xFFFFFFD0]  }
0x126: {  	v58 =	vld [tilespmem:s11+$0xFFFFFFE0]  }
0x127: {  	v11 =	vld [tilespmem:s11+$0xFFFFFFF0]  }
0x128: {  	v12 =	vld [tilespmem:s9+$0xFFFFFFE0]  }
0x129: {  	v13 =	vld [tilespmem:s11+$0x0]  }
0x12a: {  	v14 =	vld [tilespmem:s11+$0x10]  }
0x12b: {  	v59 =	vld [tilespmem:s9+$0xFFFFFFF0]  }
0x12c: {  	v60 =	vld [tilespmem:s9+$0x0]  }
0x12d: {  	v61 =	vld [tilespmem:s9+$0x20]  }
0x12e: {  	v62 =	vld [tilespmem:s11+$0x20]  }
0x12f: {  	v1 =	vld.idx.msk [tilespmem:v1+s6+$0x0], $0xffff  }
0x130: {  	v2 =	vld.idx.msk [tilespmem:v2+s6+$0x0], $0xffff  }
0x131: {  	v15 =	vld [tilespmem:s11+$0xFFFFFFC0]  }
0x132: {  	v3 =	vld.idx.msk [tilespmem:v3+s6+$0x0], $0xffff  }
0x133: {  	v4 =	vld.idx.msk [tilespmem:v4+s6+$0x0], $0xffff  }
0x134: {  	v5 =	vld.idx.msk [tilespmem:v5+s6+$0x0], $0xffff;
	v1 =	vmul.f32 v1, v8  }
0x135: {  	v55 =	vld.idx.msk [tilespmem:v9+s6+$0x0], $0xffff;
	v2 =	vmul.f32 v2, v57  }
0x136: {  	[tilespmem:v7+s5+$0x0] =	vst.idx.add.f32.msk $0xffff, v1  }
0x137: {  	[tilespmem:v56+s5+$0x0] =	vst.idx.add.f32.msk $0xffff, v2  }
0x138: {  	v2 =	vmul.f32 v3, v58;
	v3 =	vld [tilespmem:s9+$0x10]  }
0x139: {  	v4 =	vmul.f32 v4, v11;
	v1 =	vld.idx.msk [tilespmem:v6+s6+$0x0], $0xffff  }
0x13a: {  	v10 =	vld.idx.msk [tilespmem:v10+s6+$0x0], $0xffff;
	v5 =	vmul.f32 v5, v13  }
0x13b: {  	v63 =	vmul.f32 v55, v62;
	[tilespmem:v59+s5+$0x0] =	vst.idx.add.f32.msk $0xffff, v4  }
0x13c: {  	[tilespmem:v60+s5+$0x0] =	vst.idx.add.f32.msk $0xffff, v5  }
0x13d: {  	[tilespmem:v61+s5+$0x0] =	vst.idx.add.f32.msk $0xffff, v63  }
0x13e: {  	[tilespmem:v12+s5+$0x0] =	vst.idx.add.f32.msk $0xffff, v2;
	v1 =	vmul.f32 v1, v14  }
0x13f: {  	v2 =	vld [tilespmem:s9+$0xFFFFFFC0]  }
0x140: {  	s14 =	simm.s32 $0xC0C0;
	s12 =	simm.s32 $0x0;
	[tilespmem:v3+s5+$0x0] =	vst.idx.add.f32.msk $0xffff, v1;
	v1 =	vmul.f32 v10, v15  }
.LBB2_10:
0x141: {  	v3 =	vld [tilespmem:s14+$0x30];
	s12 =	sadd.s32 $0x8, s12  }
0x142: {  	v4 =	vld [tilespmem:s14+$0xFFFFFFC0];
	p6 =	slt.u32 s12, $0xF8  }
0x143: {  	v5 =	vld [tilespmem:s14+$0xFFFFFFD0]  }
0x144: {  	v6 =	vld [tilespmem:s14+$0xFFFFFFE0]  }
0x145: {  	v7 =	vld [tilespmem:s14+$0xFFFFFFF0]  }
0x146: {  	v8 =	vld [tilespmem:s14+$0x0]  }
0x147: {  	s9 =	sadd.s32 $0x80, s9;
	v9 =	vld [tilespmem:s14+$0x10]  }
0x148: {  	v10 =	vld [tilespmem:s9+$0x30]  }
0x149: {  	s11 =	sadd.s32 $0x80, s11;
	v3 =	vld.idx.msk [tilespmem:v3+s6+$0x0], $0xffff  }
0x14a: {  	v11 =	vld [tilespmem:s11+$0x30]  }
0x14b: {  	v12 =	vld [tilespmem:s14+$0x20]  }
0x14c: {  	v4 =	vld.idx.msk [tilespmem:v4+s6+$0x0], $0xffff  }
0x14d: {  	v5 =	vld.idx.msk [tilespmem:v5+s6+$0x0], $0xffff  }
0x14e: {  	v6 =	vld.idx.msk [tilespmem:v6+s6+$0x0], $0xffff  }
0x14f: {  	v7 =	vld.idx.msk [tilespmem:v7+s6+$0x0], $0xffff;
	v3 =	vmul.f32 v3, v11  }
0x150: {  	v8 =	vld.idx.msk [tilespmem:v8+s6+$0x0], $0xffff  }
0x151: {  	[tilespmem:v10+s5+$0x0] =	vst.idx.add.f32.msk $0xffff, v3  }
0x152: {  	v3 =	vld.idx.msk [tilespmem:v9+s6+$0x0], $0xffff  }
0x153: {  	v9 =	vld.idx.msk [tilespmem:v12+s6+$0x0], $0xffff  }
0x154: {  	v10 =	vld [tilespmem:s11+$0xFFFFFFC0]  }
0x155: {  	v11 =	vld [tilespmem:s11+$0xFFFFFFD0]  }
0x156: {  	v12 =	vld [tilespmem:s11+$0xFFFFFFE0]  }
0x157: {  	v13 =	vld [tilespmem:s11+$0xFFFFFFF0]  }
0x158: {  	v14 =	vld [tilespmem:s11+$0x0]  }
0x159: {  	v4 =	vmul.f32 v4, v10;
	v10 =	vld [tilespmem:s11+$0x10]  }
0x15a: {  	v5 =	vmul.f32 v5, v11;
	v11 =	vld [tilespmem:s11+$0x20]  }
0x15b: {  	v15 =	vld [tilespmem:s9+$0xFFFFFFD0];
	v6 =	vmul.f32 v6, v12  }
0x15c: {  	v12 =	vld [tilespmem:s9+$0xFFFFFFE0];
	v7 =	vmul.f32 v7, v13  }
0x15d: {  	v13 =	vld [tilespmem:s9+$0xFFFFFFF0];
	v8 =	vmul.f32 v8, v14  }
0x15e: {  	v14 =	vld [tilespmem:s9+$0x0];
	v3 =	vmul.f32 v3, v10  }
0x15f: {  	v10 =	vld [tilespmem:s9+$0x10];
	v9 =	vmul.f32 v9, v11  }
0x160: {  	v11 =	vld [tilespmem:s9+$0x20]  }
0x161: {  	v16 =	vld [tilespmem:s9+$0xFFFFFFC0]  }
0x162: {  	[tilespmem:v2+s5+$0x0] =	vst.idx.add.f32.msk $0xffff, v1;
	v1 =	vmov v4  }
0x163: {  	[tilespmem:v15+s5+$0x0] =	vst.idx.add.f32.msk $0xffff, v5  }
.Ltmp7:
0x164: {  	[tilespmem:v12+s5+$0x0] =	vst.idx.add.f32.msk $0xffff, v6;
	(pc) =	sbr.rel @p6 .LBB2_10-.Ltmp7, $4  }
0x165: {  	[tilespmem:v13+s5+$0x0] =	vst.idx.add.f32.msk $0xffff, v7  }
0x166: {  	[tilespmem:v14+s5+$0x0] =	vst.idx.add.f32.msk $0xffff, v8;
	v2 =	vmov v16  }
0x167: {  	[tilespmem:v10+s5+$0x0] =	vst.idx.add.f32.msk $0xffff, v3  }
0x168: {  	s14 =	sadd.s32 $0x80, s14;
	[tilespmem:v11+s5+$0x0] =	vst.idx.add.f32.msk $0xffff, v9  }
0x169: {  	_ =	sdelay $0x3  }
0x16a: {  	[tilespmem:v2+s5+$0x0] =	vst.idx.add.f32.msk $0xffff, v1;
	s9 =	simm.s32 @p0 $0x0;
	s11 =	simm.s32 @p0 $0x8000  }
0x16b: {  	[tilespmem:s11], [sflag:$0x1] =	stream.linear.gather @p0 [hbm4b:s17+s9], $0x780, $0x38;
	[tilespmem:$0xE180] =	vst v63  }
0x16c: {  	s12 =	simm.s32 @p0 $0xA000;
	s9 =	simm.s32 @p0 $0x80;
	s11 =	simm.s32 @p0 $0x100  }
0x16d: {  	[tilespmem:s12], [sflag:$0x1] =	stream.strided.gather @p0 [hbm4b:s18+s9], $0x780, s11, s9, $0x38;
	[tilespmem:$0xE180] =	vst v63  }
0x16e: {  	s12 =	simm.s32 @p0 $0xC000  }
0x16f: {  	[tilespmem:s12], [sflag:$0x1] =	stream.strided.gather @p0 [hbm4b:s19+s9], $0x780, s11, s9, $0x38;
	[tilespmem:$0xE180] =	vst v63  }
0x170: {  	s9 =	simm.s32 @!p4 $0x0;
	s11 =	simm.s32 @!p4 $0x8000  }
0x171: {  	[tilespmem:s11], [sflag:$0x1] =	stream.linear.gather @!p4 [hbm4b:s17+s9], $0x800, $0x38;
	[tilespmem:$0xE180] =	vst v63  }
0x172: {  	s12 =	simm.s32 @!p4 $0xA000;
	s9 =	simm.s32 @!p4 $0x80;
	s11 =	simm.s32 @!p4 $0x100  }
0x173: {  	[tilespmem:s12], [sflag:$0x1] =	stream.strided.gather @!p4 [hbm4b:s18+s9], $0x800, s11, s9, $0x38;
	[tilespmem:$0xE180] =	vst v63  }
0x174: {  	s12 =	simm.s32 @!p4 $0xC000  }
0x175: {  	[tilespmem:s12], [sflag:$0x1] =	stream.strided.gather @!p4 [hbm4b:s19+s9], $0x800, s11, s9, $0x38;
	[tilespmem:$0xE180] =	vst v63  }
0x176: {  	_ =	swait.ge [sflag:s29], $0x1000  }
0x177: {  	[sflag:s29] =	ssyncset.done $0x0  }
0x178: {  	[sflag:s29] =	ssyncadd.s32 $0xFFFFF000  }
0x179: {  	_ =	swait.ge [sflag:s29], $0x1000  }
0x17a: {  	[sflag:s29] =	ssyncset.done $0x0  }
0x17b: {  	[sflag:s29] =	ssyncadd.s32 $0xFFFFF000  }
0x17c: {  	_ =	swait.ge [sflag:s29], $0x1000  }
0x17d: {  	[sflag:s29] =	ssyncset.done $0x0  }
0x17e: {  	s15 =	simm.s32 $0xD040;
	[sflag:s29] =	ssyncadd.s32 $0xFFFFF000  }
0x17f: {  	v1 =	vld [tilespmem:s15+$0x30]  }
0x180: {  	v2 =	vld [tilespmem:s15+$0xFFFFFFD0]  }
0x181: {  	v3 =	vld [tilespmem:s15+$0xFFFFFFE0]  }
0x182: {  	v4 =	vld [tilespmem:s15+$0xFFFFFFF0]  }
0x183: {  	v5 =	vld [tilespmem:s15+$0x0]  }
0x184: {  	s9 =	simm.s32 $0xB040;
	v6 =	vld [tilespmem:s15+$0x10]  }
0x185: {  	s20 =	simm.s32 $0x9040;
	v7 =	vld [tilespmem:s9+$0x30]  }
0x186: {  	v8 =	vld [tilespmem:s20+$0x30]  }
0x187: {  	v9 =	vld [tilespmem:s15+$0x20]  }
0x188: {  	v10 =	vld [tilespmem:s15+$0xFFFFFFC0]  }
0x189: {  	v58 =	vld [tilespmem:s20+$0xFFFFFFD0]  }
0x18a: {  	v59 =	vld [tilespmem:s20+$0xFFFFFFE0]  }
0x18b: {  	v1 =	vld.idx.msk [tilespmem:v1+s6+$0x0], $0xffff  }
0x18c: {  	v11 =	vld [tilespmem:s20+$0xFFFFFFF0]  }
0x18d: {  	v12 =	vld [tilespmem:s9+$0xFFFFFFE0]  }
0x18e: {  	v13 =	vld [tilespmem:s20+$0x0]  }
0x18f: {  	v14 =	vld [tilespmem:s20+$0x10]  }
0x190: {  	v60 =	vld [tilespmem:s9+$0xFFFFFFF0];
	v1 =	vmul.f32 v1, v8  }
0x191: {  	v61 =	vld [tilespmem:s9+$0x20]  }
0x192: {  	[tilespmem:v7+s5+$0x0] =	vst.idx.add.f32.msk $0xffff, v1  }
0x193: {  	v1 =	vld [tilespmem:s9+$0xFFFFFFD0]  }
0x194: {  	v2 =	vld.idx.msk [tilespmem:v2+s6+$0x0], $0xffff  }
0x195: {  	v62 =	vld [tilespmem:s20+$0x20]  }
0x196: {  	v15 =	vld [tilespmem:s20+$0xFFFFFFC0]  }
0x197: {  	v3 =	vld.idx.msk [tilespmem:v3+s6+$0x0], $0xffff  }
0x198: {  	v4 =	vld.idx.msk [tilespmem:v4+s6+$0x0], $0xffff  }
0x199: {  	v5 =	vld.idx.msk [tilespmem:v5+s6+$0x0], $0xffff;
	v2 =	vmul.f32 v2, v58  }
0x19a: {  	v57 =	vld.idx.msk [tilespmem:v9+s6+$0x0], $0xffff  }
0x19b: {  	[tilespmem:v1+s5+$0x0] =	vst.idx.add.f32.msk $0xffff, v2  }
0x19c: {  	v2 =	vld [tilespmem:s9+$0x0]  }
0x19d: {  	v1 =	vmul.f32 v3, v59;
	v3 =	vld [tilespmem:s9+$0x10]  }
0x19e: {  	v6 =	vld.idx.msk [tilespmem:v6+s6+$0x0], $0xffff;
	v4 =	vmul.f32 v4, v11  }
0x19f: {  	v10 =	vld.idx.msk [tilespmem:v10+s6+$0x0], $0xffff;
	v63 =	vmul.f32 v57, v62  }
0x1a0: {  	[tilespmem:v60+s5+$0x0] =	vst.idx.add.f32.msk $0xffff, v4  }
0x1a1: {  	[tilespmem:v61+s5+$0x0] =	vst.idx.add.f32.msk $0xffff, v63  }
0x1a2: {  	v5 =	vmul.f32 v5, v13;
	[tilespmem:v12+s5+$0x0] =	vst.idx.add.f32.msk $0xffff, v1  }
0x1a3: {  	p3 =	por @!p4 $0x0, $0x0;
	p1 =	por $0x0, $0x0;
	v6 =	vmul.f32 v6, v14;
	v1 =	vld [tilespmem:s9+$0xFFFFFFC0]  }
0x1a4: {  	p6 =	por @p0 $0x1, $0x1;
	p3 =	por @!p5 p1, p1;
	[tilespmem:v2+s5+$0x0] =	vst.idx.add.f32.msk $0xffff, v5  }
0x1a5: {  	p6 =	por @!p0 p3, p3;
	s11 =	simm.s32 $0x0;
	s12 =	simm.s32 $0xD0C0;
	[tilespmem:v3+s5+$0x0] =	vst.idx.add.f32.msk $0xffff, v6;
	v2 =	vmul.f32 v10, v15  }
.LBB2_12:
0x1a6: {  	v3 =	vld [tilespmem:s12+$0x30];
	s11 =	sadd.s32 $0x8, s11  }
0x1a7: {  	v4 =	vld [tilespmem:s12+$0xFFFFFFC0];
	p3 =	slt.u32 s11, $0xF8  }
0x1a8: {  	v5 =	vld [tilespmem:s12+$0xFFFFFFD0]  }
0x1a9: {  	v6 =	vld [tilespmem:s12+$0xFFFFFFE0]  }
0x1aa: {  	v7 =	vld [tilespmem:s12+$0xFFFFFFF0]  }
0x1ab: {  	v8 =	vld [tilespmem:s12+$0x0]  }
0x1ac: {  	s9 =	sadd.s32 $0x80, s9;
	v9 =	vld [tilespmem:s12+$0x10]  }
0x1ad: {  	v10 =	vld [tilespmem:s9+$0x30]  }
0x1ae: {  	s20 =	sadd.s32 $0x80, s20;
	v3 =	vld.idx.msk [tilespmem:v3+s6+$0x0], $0xffff  }
0x1af: {  	v11 =	vld [tilespmem:s20+$0x30]  }
0x1b0: {  	v12 =	vld [tilespmem:s12+$0x20]  }
0x1b1: {  	v4 =	vld.idx.msk [tilespmem:v4+s6+$0x0], $0xffff  }
0x1b2: {  	v5 =	vld.idx.msk [tilespmem:v5+s6+$0x0], $0xffff  }
0x1b3: {  	v6 =	vld.idx.msk [tilespmem:v6+s6+$0x0], $0xffff  }
0x1b4: {  	v7 =	vld.idx.msk [tilespmem:v7+s6+$0x0], $0xffff;
	v3 =	vmul.f32 v3, v11  }
0x1b5: {  	v8 =	vld.idx.msk [tilespmem:v8+s6+$0x0], $0xffff  }
0x1b6: {  	[tilespmem:v10+s5+$0x0] =	vst.idx.add.f32.msk $0xffff, v3  }
0x1b7: {  	v3 =	vld.idx.msk [tilespmem:v9+s6+$0x0], $0xffff  }
0x1b8: {  	v9 =	vld.idx.msk [tilespmem:v12+s6+$0x0], $0xffff  }
0x1b9: {  	v10 =	vld [tilespmem:s20+$0xFFFFFFC0]  }
0x1ba: {  	v11 =	vld [tilespmem:s20+$0xFFFFFFD0]  }
0x1bb: {  	v12 =	vld [tilespmem:s20+$0xFFFFFFE0]  }
0x1bc: {  	v13 =	vld [tilespmem:s20+$0xFFFFFFF0]  }
0x1bd: {  	v14 =	vld [tilespmem:s20+$0x0]  }
0x1be: {  	v4 =	vmul.f32 v4, v10;
	v10 =	vld [tilespmem:s20+$0x10]  }
0x1bf: {  	v5 =	vmul.f32 v5, v11;
	v11 =	vld [tilespmem:s20+$0x20]  }
0x1c0: {  	v15 =	vld [tilespmem:s9+$0xFFFFFFD0];
	v6 =	vmul.f32 v6, v12  }
0x1c1: {  	v12 =	vld [tilespmem:s9+$0xFFFFFFE0];
	v7 =	vmul.f32 v7, v13  }
0x1c2: {  	v13 =	vld [tilespmem:s9+$0xFFFFFFF0];
	v8 =	vmul.f32 v8, v14  }
0x1c3: {  	v14 =	vld [tilespmem:s9+$0x0];
	v3 =	vmul.f32 v3, v10  }
0x1c4: {  	v10 =	vld [tilespmem:s9+$0x10];
	v9 =	vmul.f32 v9, v11  }
0x1c5: {  	v11 =	vld [tilespmem:s9+$0x20]  }
0x1c6: {  	v16 =	vld [tilespmem:s9+$0xFFFFFFC0]  }
0x1c7: {  	[tilespmem:v1+s5+$0x0] =	vst.idx.add.f32.msk $0xffff, v2;
	v2 =	vmov v4  }
0x1c8: {  	[tilespmem:v15+s5+$0x0] =	vst.idx.add.f32.msk $0xffff, v5  }
.Ltmp8:
0x1c9: {  	[tilespmem:v12+s5+$0x0] =	vst.idx.add.f32.msk $0xffff, v6;
	(pc) =	sbr.rel @p3 .LBB2_12-.Ltmp8, $4  }
0x1ca: {  	[tilespmem:v13+s5+$0x0] =	vst.idx.add.f32.msk $0xffff, v7  }
0x1cb: {  	[tilespmem:v14+s5+$0x0] =	vst.idx.add.f32.msk $0xffff, v8;
	v1 =	vmov v16  }
0x1cc: {  	[tilespmem:v10+s5+$0x0] =	vst.idx.add.f32.msk $0xffff, v3  }
0x1cd: {  	s12 =	sadd.s32 $0x80, s12;
	[tilespmem:v11+s5+$0x0] =	vst.idx.add.f32.msk $0xffff, v9  }
0x1ce: {  	_ =	sdelay $0x3  }
0x1cf: {  	[tilespmem:v1+s5+$0x0] =	vst.idx.add.f32.msk $0xffff, v2  }
0x1d0: {  	s9 =	sld [smem:$0x7FD];
	_ =	sdelay $0x2  }
0x1d1: {  	p1 =	seq.s32 s9, $0x1  }
.Ltmp9:
0x1d2: {  	_ = 	snop;
	(pc) =	sbr.rel @p1 .LBB2_17-.Ltmp9, $1  }
0x1d3: {  	_ =	sdelay $0x3  }
0x1d4: {  	_ =	swait.ge [sflag:s0], $0x800  }
0x1d5: {  	[sflag:s0] =	ssyncset.done $0x0  }
0x1d6: {  	[sflag:s0] =	ssyncadd.s32 $0xFFFFF800  }
0x1d7: {  	_ =	swait.ge [sflag:s0], $0x800  }
0x1d8: {  	[sflag:s0] =	ssyncset.done $0x0  }
0x1d9: {  	[sflag:s0] =	ssyncadd.s32 $0xFFFFF800  }
0x1da: {  	_ =	swait.ge [sflag:s0], $0x800  }
0x1db: {  	[sflag:s0] =	ssyncset.done $0x0  }
0x1dc: {  	s12 =	simm.s32 $0xC040;
	[sflag:s0] =	ssyncadd.s32 $0xFFFFF800  }
0x1dd: {  	v1 =	vld [tilespmem:s12+$0x30]  }
0x1de: {  	v2 =	vld [tilespmem:s12+$0xFFFFFFD0]  }
0x1df: {  	v3 =	vld [tilespmem:s12+$0xFFFFFFE0]  }
0x1e0: {  	v4 =	vld [tilespmem:s12+$0xFFFFFFF0]  }
0x1e1: {  	v5 =	vld [tilespmem:s12+$0x0]  }
0x1e2: {  	s9 =	simm.s32 $0xA040;
	v6 =	vld [tilespmem:s12+$0x10]  }
0x1e3: {  	s11 =	simm.s32 $0x8040;
	v7 =	vld [tilespmem:s9+$0x30]  }
0x1e4: {  	v8 =	vld [tilespmem:s11+$0x30]  }
0x1e5: {  	v9 =	vld [tilespmem:s12+$0x20]  }
0x1e6: {  	v10 =	vld [tilespmem:s12+$0xFFFFFFC0]  }
0x1e7: {  	v56 =	vld [tilespmem:s9+$0xFFFFFFD0]  }
0x1e8: {  	v57 =	vld [tilespmem:s11+$0xFFFFFFD0]  }
0x1e9: {  	v58 =	vld [tilespmem:s11+$0xFFFFFFE0]  }
0x1ea: {  	v11 =	vld [tilespmem:s11+$0xFFFFFFF0]  }
0x1eb: {  	v12 =	vld [tilespmem:s9+$0xFFFFFFE0]  }
0x1ec: {  	v13 =	vld [tilespmem:s11+$0x0]  }
0x1ed: {  	v14 =	vld [tilespmem:s11+$0x10]  }
0x1ee: {  	v59 =	vld [tilespmem:s9+$0xFFFFFFF0]  }
0x1ef: {  	v60 =	vld [tilespmem:s9+$0x0]  }
0x1f0: {  	v61 =	vld [tilespmem:s9+$0x20]  }
0x1f1: {  	v62 =	vld [tilespmem:s11+$0x20]  }
0x1f2: {  	v1 =	vld.idx.msk [tilespmem:v1+s6+$0x0], $0xffff  }
0x1f3: {  	v2 =	vld.idx.msk [tilespmem:v2+s6+$0x0], $0xffff  }
0x1f4: {  	v15 =	vld [tilespmem:s11+$0xFFFFFFC0]  }
0x1f5: {  	v3 =	vld.idx.msk [tilespmem:v3+s6+$0x0], $0xffff  }
0x1f6: {  	v4 =	vld.idx.msk [tilespmem:v4+s6+$0x0], $0xffff  }
0x1f7: {  	v5 =	vld.idx.msk [tilespmem:v5+s6+$0x0], $0xffff;
	v1 =	vmul.f32 v1, v8  }
0x1f8: {  	v55 =	vld.idx.msk [tilespmem:v9+s6+$0x0], $0xffff;
	v2 =	vmul.f32 v2, v57  }
0x1f9: {  	[tilespmem:v7+s5+$0x0] =	vst.idx.add.f32.msk $0xffff, v1  }
0x1fa: {  	[tilespmem:v56+s5+$0x0] =	vst.idx.add.f32.msk $0xffff, v2  }
0x1fb: {  	v2 =	vmul.f32 v3, v58;
	v3 =	vld [tilespmem:s9+$0x10]  }
0x1fc: {  	v4 =	vmul.f32 v4, v11;
	v1 =	vld.idx.msk [tilespmem:v6+s6+$0x0], $0xffff  }
0x1fd: {  	v10 =	vld.idx.msk [tilespmem:v10+s6+$0x0], $0xffff;
	v5 =	vmul.f32 v5, v13  }
0x1fe: {  	v63 =	vmul.f32 v55, v62;
	[tilespmem:v59+s5+$0x0] =	vst.idx.add.f32.msk $0xffff, v4  }
0x1ff: {  	[tilespmem:v60+s5+$0x0] =	vst.idx.add.f32.msk $0xffff, v5  }
0x200: {  	[tilespmem:v61+s5+$0x0] =	vst.idx.add.f32.msk $0xffff, v63  }
0x201: {  	[tilespmem:v12+s5+$0x0] =	vst.idx.add.f32.msk $0xffff, v2;
	v1 =	vmul.f32 v1, v14  }
0x202: {  	v2 =	vld [tilespmem:s9+$0xFFFFFFC0]  }
0x203: {  	s14 =	simm.s32 $0xC0C0;
	s12 =	simm.s32 $0x0;
	[tilespmem:v3+s5+$0x0] =	vst.idx.add.f32.msk $0xffff, v1;
	v1 =	vmul.f32 v10, v15  }
.LBB2_15:
0x204: {  	v3 =	vld [tilespmem:s14+$0x30];
	s12 =	sadd.s32 $0x8, s12  }
0x205: {  	v4 =	vld [tilespmem:s14+$0xFFFFFFC0];
	p3 =	slt.u32 s12, $0x78  }
0x206: {  	v5 =	vld [tilespmem:s14+$0xFFFFFFD0]  }
0x207: {  	v6 =	vld [tilespmem:s14+$0xFFFFFFE0]  }
0x208: {  	v7 =	vld [tilespmem:s14+$0xFFFFFFF0]  }
0x209: {  	v8 =	vld [tilespmem:s14+$0x0]  }
0x20a: {  	s9 =	sadd.s32 $0x80, s9;
	v9 =	vld [tilespmem:s14+$0x10]  }
0x20b: {  	v10 =	vld [tilespmem:s9+$0x30]  }
0x20c: {  	s11 =	sadd.s32 $0x80, s11;
	v3 =	vld.idx.msk [tilespmem:v3+s6+$0x0], $0xffff  }
0x20d: {  	v11 =	vld [tilespmem:s11+$0x30]  }
0x20e: {  	v12 =	vld [tilespmem:s14+$0x20]  }
0x20f: {  	v4 =	vld.idx.msk [tilespmem:v4+s6+$0x0], $0xffff  }
0x210: {  	v5 =	vld.idx.msk [tilespmem:v5+s6+$0x0], $0xffff  }
0x211: {  	v6 =	vld.idx.msk [tilespmem:v6+s6+$0x0], $0xffff  }
0x212: {  	v7 =	vld.idx.msk [tilespmem:v7+s6+$0x0], $0xffff;
	v3 =	vmul.f32 v3, v11  }
0x213: {  	v8 =	vld.idx.msk [tilespmem:v8+s6+$0x0], $0xffff  }
0x214: {  	[tilespmem:v10+s5+$0x0] =	vst.idx.add.f32.msk $0xffff, v3  }
0x215: {  	v3 =	vld.idx.msk [tilespmem:v9+s6+$0x0], $0xffff  }
0x216: {  	v9 =	vld.idx.msk [tilespmem:v12+s6+$0x0], $0xffff  }
0x217: {  	v10 =	vld [tilespmem:s11+$0xFFFFFFC0]  }
0x218: {  	v11 =	vld [tilespmem:s11+$0xFFFFFFD0]  }
0x219: {  	v12 =	vld [tilespmem:s11+$0xFFFFFFE0]  }
0x21a: {  	v13 =	vld [tilespmem:s11+$0xFFFFFFF0]  }
0x21b: {  	v14 =	vld [tilespmem:s11+$0x0]  }
0x21c: {  	v4 =	vmul.f32 v4, v10;
	v10 =	vld [tilespmem:s11+$0x10]  }
0x21d: {  	v5 =	vmul.f32 v5, v11;
	v11 =	vld [tilespmem:s11+$0x20]  }
0x21e: {  	v15 =	vld [tilespmem:s9+$0xFFFFFFD0];
	v6 =	vmul.f32 v6, v12  }
0x21f: {  	v12 =	vld [tilespmem:s9+$0xFFFFFFE0];
	v7 =	vmul.f32 v7, v13  }
0x220: {  	v13 =	vld [tilespmem:s9+$0xFFFFFFF0];
	v8 =	vmul.f32 v8, v14  }
0x221: {  	v14 =	vld [tilespmem:s9+$0x0];
	v3 =	vmul.f32 v3, v10  }
0x222: {  	v10 =	vld [tilespmem:s9+$0x10];
	v9 =	vmul.f32 v9, v11  }
0x223: {  	v11 =	vld [tilespmem:s9+$0x20]  }
0x224: {  	v16 =	vld [tilespmem:s9+$0xFFFFFFC0]  }
0x225: {  	[tilespmem:v2+s5+$0x0] =	vst.idx.add.f32.msk $0xffff, v1;
	v1 =	vmov v4  }
0x226: {  	[tilespmem:v15+s5+$0x0] =	vst.idx.add.f32.msk $0xffff, v5  }
.Ltmp10:
0x227: {  	[tilespmem:v12+s5+$0x0] =	vst.idx.add.f32.msk $0xffff, v6;
	(pc) =	sbr.rel @p3 .LBB2_15-.Ltmp10, $4  }
0x228: {  	[tilespmem:v13+s5+$0x0] =	vst.idx.add.f32.msk $0xffff, v7  }
0x229: {  	[tilespmem:v14+s5+$0x0] =	vst.idx.add.f32.msk $0xffff, v8;
	v2 =	vmov v16  }
0x22a: {  	[tilespmem:v10+s5+$0x0] =	vst.idx.add.f32.msk $0xffff, v3  }
0x22b: {  	s14 =	sadd.s32 $0x80, s14;
	[tilespmem:v11+s5+$0x0] =	vst.idx.add.f32.msk $0xffff, v9  }
0x22c: {  	_ =	sdelay $0x3  }
0x22d: {  	[tilespmem:v2+s5+$0x0] =	vst.idx.add.f32.msk $0xffff, v1  }
.LBB2_17:
.Ltmp11:
0x22e: {  	(pc) =	sbr.rel @!p6 .LBB2_21-.Ltmp11, $1  }
0x22f: {  	_ =	sdelay $0x3  }
0x230: {  	_ =	swait.ge [sflag:s0], $0x780  }
0x231: {  	[sflag:s0] =	ssyncset.done $0x0  }
0x232: {  	[sflag:s0] =	ssyncadd.s32 $0xFFFFF880  }
0x233: {  	_ =	swait.ge [sflag:s0], $0x780  }
0x234: {  	[sflag:s0] =	ssyncset.done $0x0  }
0x235: {  	[sflag:s0] =	ssyncadd.s32 $0xFFFFF880  }
0x236: {  	_ =	swait.ge [sflag:s0], $0x780  }
0x237: {  	[sflag:s0] =	ssyncset.done $0x0  }
0x238: {  	s12 =	simm.s32 $0xC040;
	[sflag:s0] =	ssyncadd.s32 $0xFFFFF880  }
0x239: {  	v1 =	vld [tilespmem:s12+$0x30]  }
0x23a: {  	v2 =	vld [tilespmem:s12+$0xFFFFFFD0]  }
0x23b: {  	v3 =	vld [tilespmem:s12+$0xFFFFFFE0]  }
0x23c: {  	v4 =	vld [tilespmem:s12+$0xFFFFFFF0]  }
0x23d: {  	v5 =	vld [tilespmem:s12+$0x0]  }
0x23e: {  	s9 =	simm.s32 $0xA040;
	v6 =	vld [tilespmem:s12+$0x10]  }
0x23f: {  	s11 =	simm.s32 $0x8040;
	v7 =	vld [tilespmem:s9+$0x30]  }
0x240: {  	v8 =	vld [tilespmem:s11+$0x30]  }
0x241: {  	v9 =	vld [tilespmem:s12+$0x20]  }
0x242: {  	v10 =	vld [tilespmem:s12+$0xFFFFFFC0]  }
0x243: {  	v56 =	vld [tilespmem:s9+$0xFFFFFFD0]  }
0x244: {  	v57 =	vld [tilespmem:s11+$0xFFFFFFD0]  }
0x245: {  	v58 =	vld [tilespmem:s11+$0xFFFFFFE0]  }
0x246: {  	v11 =	vld [tilespmem:s11+$0xFFFFFFF0]  }
0x247: {  	v12 =	vld [tilespmem:s9+$0xFFFFFFE0]  }
0x248: {  	v13 =	vld [tilespmem:s11+$0x0]  }
0x249: {  	v14 =	vld [tilespmem:s11+$0x10]  }
0x24a: {  	v59 =	vld [tilespmem:s9+$0xFFFFFFF0]  }
0x24b: {  	v60 =	vld [tilespmem:s9+$0x0]  }
0x24c: {  	v61 =	vld [tilespmem:s9+$0x20]  }
0x24d: {  	v62 =	vld [tilespmem:s11+$0x20]  }
0x24e: {  	v1 =	vld.idx.msk [tilespmem:v1+s6+$0x0], $0xffff  }
0x24f: {  	v2 =	vld.idx.msk [tilespmem:v2+s6+$0x0], $0xffff  }
0x250: {  	v15 =	vld [tilespmem:s11+$0xFFFFFFC0]  }
0x251: {  	v3 =	vld.idx.msk [tilespmem:v3+s6+$0x0], $0xffff  }
0x252: {  	v4 =	vld.idx.msk [tilespmem:v4+s6+$0x0], $0xffff  }
0x253: {  	v5 =	vld.idx.msk [tilespmem:v5+s6+$0x0], $0xffff;
	v1 =	vmul.f32 v1, v8  }
0x254: {  	v55 =	vld.idx.msk [tilespmem:v9+s6+$0x0], $0xffff;
	v2 =	vmul.f32 v2, v57  }
0x255: {  	[tilespmem:v7+s5+$0x0] =	vst.idx.add.f32.msk $0xffff, v1  }
0x256: {  	[tilespmem:v56+s5+$0x0] =	vst.idx.add.f32.msk $0xffff, v2  }
0x257: {  	v2 =	vmul.f32 v3, v58;
	v3 =	vld [tilespmem:s9+$0x10]  }
0x258: {  	v4 =	vmul.f32 v4, v11;
	v1 =	vld.idx.msk [tilespmem:v6+s6+$0x0], $0xffff  }
0x259: {  	v10 =	vld.idx.msk [tilespmem:v10+s6+$0x0], $0xffff;
	v5 =	vmul.f32 v5, v13  }
0x25a: {  	v63 =	vmul.f32 v55, v62;
	[tilespmem:v59+s5+$0x0] =	vst.idx.add.f32.msk $0xffff, v4  }
0x25b: {  	[tilespmem:v60+s5+$0x0] =	vst.idx.add.f32.msk $0xffff, v5  }
0x25c: {  	[tilespmem:v61+s5+$0x0] =	vst.idx.add.f32.msk $0xffff, v63  }
0x25d: {  	[tilespmem:v12+s5+$0x0] =	vst.idx.add.f32.msk $0xffff, v2;
	v1 =	vmul.f32 v1, v14  }
0x25e: {  	v2 =	vld [tilespmem:s9+$0xFFFFFFC0]  }
0x25f: {  	s14 =	simm.s32 $0xC0C0;
	s12 =	simm.s32 $0x0;
	[tilespmem:v3+s5+$0x0] =	vst.idx.add.f32.msk $0xffff, v1;
	v1 =	vmul.f32 v10, v15  }
.LBB2_19:
0x260: {  	v3 =	vld [tilespmem:s14+$0x30];
	s12 =	sadd.s32 $0x8, s12  }
0x261: {  	v4 =	vld [tilespmem:s14+$0xFFFFFFC0];
	p3 =	slt.u32 s12, $0x70  }
0x262: {  	v5 =	vld [tilespmem:s14+$0xFFFFFFD0]  }
0x263: {  	v6 =	vld [tilespmem:s14+$0xFFFFFFE0]  }
0x264: {  	v7 =	vld [tilespmem:s14+$0xFFFFFFF0]  }
0x265: {  	v8 =	vld [tilespmem:s14+$0x0]  }
0x266: {  	s9 =	sadd.s32 $0x80, s9;
	v9 =	vld [tilespmem:s14+$0x10]  }
0x267: {  	v10 =	vld [tilespmem:s9+$0x30]  }
0x268: {  	s11 =	sadd.s32 $0x80, s11;
	v3 =	vld.idx.msk [tilespmem:v3+s6+$0x0], $0xffff  }
0x269: {  	v11 =	vld [tilespmem:s11+$0x30]  }
0x26a: {  	v12 =	vld [tilespmem:s14+$0x20]  }
0x26b: {  	v4 =	vld.idx.msk [tilespmem:v4+s6+$0x0], $0xffff  }
0x26c: {  	v5 =	vld.idx.msk [tilespmem:v5+s6+$0x0], $0xffff  }
0x26d: {  	v6 =	vld.idx.msk [tilespmem:v6+s6+$0x0], $0xffff  }
0x26e: {  	v7 =	vld.idx.msk [tilespmem:v7+s6+$0x0], $0xffff;
	v3 =	vmul.f32 v3, v11  }
0x26f: {  	v8 =	vld.idx.msk [tilespmem:v8+s6+$0x0], $0xffff  }
0x270: {  	[tilespmem:v10+s5+$0x0] =	vst.idx.add.f32.msk $0xffff, v3  }
0x271: {  	v3 =	vld.idx.msk [tilespmem:v9+s6+$0x0], $0xffff  }
0x272: {  	v9 =	vld.idx.msk [tilespmem:v12+s6+$0x0], $0xffff  }
0x273: {  	v10 =	vld [tilespmem:s11+$0xFFFFFFC0]  }
0x274: {  	v11 =	vld [tilespmem:s11+$0xFFFFFFD0]  }
0x275: {  	v12 =	vld [tilespmem:s11+$0xFFFFFFE0]  }
0x276: {  	v13 =	vld [tilespmem:s11+$0xFFFFFFF0]  }
0x277: {  	v14 =	vld [tilespmem:s11+$0x0]  }
0x278: {  	v4 =	vmul.f32 v4, v10;
	v10 =	vld [tilespmem:s11+$0x10]  }
0x279: {  	v5 =	vmul.f32 v5, v11;
	v11 =	vld [tilespmem:s11+$0x20]  }
0x27a: {  	v15 =	vld [tilespmem:s9+$0xFFFFFFD0];
	v6 =	vmul.f32 v6, v12  }
0x27b: {  	v12 =	vld [tilespmem:s9+$0xFFFFFFE0];
	v7 =	vmul.f32 v7, v13  }
0x27c: {  	v13 =	vld [tilespmem:s9+$0xFFFFFFF0];
	v8 =	vmul.f32 v8, v14  }
0x27d: {  	v14 =	vld [tilespmem:s9+$0x0];
	v3 =	vmul.f32 v3, v10  }
0x27e: {  	v10 =	vld [tilespmem:s9+$0x10];
	v9 =	vmul.f32 v9, v11  }
0x27f: {  	v11 =	vld [tilespmem:s9+$0x20]  }
0x280: {  	v16 =	vld [tilespmem:s9+$0xFFFFFFC0]  }
0x281: {  	[tilespmem:v2+s5+$0x0] =	vst.idx.add.f32.msk $0xffff, v1;
	v1 =	vmov v4  }
0x282: {  	[tilespmem:v15+s5+$0x0] =	vst.idx.add.f32.msk $0xffff, v5  }
.Ltmp12:
0x283: {  	[tilespmem:v12+s5+$0x0] =	vst.idx.add.f32.msk $0xffff, v6;
	(pc) =	sbr.rel @p3 .LBB2_19-.Ltmp12, $4  }
0x284: {  	[tilespmem:v13+s5+$0x0] =	vst.idx.add.f32.msk $0xffff, v7  }
0x285: {  	[tilespmem:v14+s5+$0x0] =	vst.idx.add.f32.msk $0xffff, v8;
	v2 =	vmov v16  }
0x286: {  	[tilespmem:v10+s5+$0x0] =	vst.idx.add.f32.msk $0xffff, v3  }
0x287: {  	s14 =	sadd.s32 $0x80, s14;
	[tilespmem:v11+s5+$0x0] =	vst.idx.add.f32.msk $0xffff, v9  }
.Ltmp13:
0x288: {  	_ = 	snop;
	(pc) =	sbr.rel .LBB2_21-.Ltmp13, $2  }
0x289: {  	_ =	sdelay $0x2  }
0x28a: {  	[tilespmem:v2+s5+$0x0] =	vst.idx.add.f32.msk $0xffff, v1  }
.LBB2_22:
0x28b: {  	s9 =	simm.s32 $0x0;
	s11 =	rddreg [dreg:$0x6];
	s12 =	simm.s32 $0xE000  }
0x28c: {  	[tilespmem:s12], [sflag:$0x3] =	stream.linear.gather [hbm4b:s11+s9], $0x80, $0x38;
	[tilespmem:$0xE180] =	vst v63  }
0x28d: {  	_ =	swait.ge [sflag:s7], $0x80  }
0x28e: {  	[sflag:s7] =	ssyncset.done $0x0  }
0x28f: {  	[sflag:s7] =	ssyncadd.s32 $0xFFFFFF80  }
0x290: {  	s14 =	simm.s32 $0xE080;
	s12 =	rddreg [dreg:$0x4]  }
0x291: {  	[tilespmem:s14], [sflag:$0x3] =	stream.linear.gather [hbm4b:s12+s9], $0x80, $0x38;
	[tilespmem:$0xE180] =	vst v63  }
0x292: {  	_ =	swait.ge [sflag:s7], $0x80  }
0x293: {  	[sflag:s7] =	ssyncset.done $0x0  }
0x294: {  	s20 =	simm.s32 $0xE100;
	s15 =	rddreg [dreg:$0xc];
	[sflag:s7] =	ssyncadd.s32 $0xFFFFFF80  }
0x295: {  	[tilespmem:s20], [sflag:$0x3] =	stream.linear.gather [hbm4b:s15+s9], $0x80, $0x38;
	[tilespmem:$0xE180] =	vst v63  }
0x296: {  	_ =	swait.ge [sflag:s7], $0x80  }
0x297: {  	[sflag:s7] =	ssyncset.done $0x0  }
0x298: {  	p3 =	por $0x1, $0x1;
	[sflag:s7] =	ssyncadd.s32 $0xFFFFFF80  }
.LBB2_23:
0x299: {  	v1 =	vld [tilespmem:s9+$0xE100]  }
0x29a: {  	v2 =	vld [tilespmem:s9+$0xE110]  }
0x29b: {  	v3 =	vld [tilespmem:s9+$0xE080]  }
0x29c: {  	v4 =	vld [tilespmem:s9+$0xE000]  }
0x29d: {  	v5 =	vld [tilespmem:s9+$0xE120]  }
0x29e: {  	v6 =	vld [tilespmem:s9+$0xE090]  }
0x29f: {  	v7 =	vld [tilespmem:s9+$0xE130]  }
0x2a0: {  	v8 =	vld [tilespmem:s9+$0xE010]  }
0x2a1: {  	v9 =	vld [tilespmem:s9+$0xE0A0]  }
0x2a2: {  	v10 =	vld [tilespmem:s9+$0xE020]  }
0x2a3: {  	v11 =	vld [tilespmem:s9+$0xE0B0]  }
0x2a4: {  	v12 =	vld [tilespmem:s9+$0xE030]  }
0x2a5: {  	v1 =	vld.idx.msk [tilespmem:v1+s6+$0x0], $0xffff  }
0x2a6: {  	v2 =	vld.idx.msk [tilespmem:v2+s6+$0x0], $0xffff  }
0x2a7: {  	v5 =	vld.idx.msk [tilespmem:v5+s6+$0x0], $0xffff  }
0x2a8: {  	v7 =	vld.idx.msk [tilespmem:v7+s6+$0x0], $0xffff;
	_ =	sdelay $0x1  }
0x2a9: {  	p6 =	por p3, p3;
	v1 =	vmul.f32 v1, v4  }
.Ltmp14:
0x2aa: {  	v2 =	vmul.f32 v2, v8;
	(pc) =	sbr.rel @p6 .LBB2_23-.Ltmp14, $4  }
0x2ab: {  	[tilespmem:v3+s5+$0x0] =	vst.idx.add.f32.msk $0xffff, v1;
	v1 =	vmul.f32 v5, v10  }
0x2ac: {  	[tilespmem:v6+s5+$0x0] =	vst.idx.add.f32.msk $0xffff, v2;
	v2 =	vmul.f32 v7, v12  }
0x2ad: {  	[tilespmem:v9+s5+$0x0] =	vst.idx.add.f32.msk $0xffff, v1  }
0x2ae: {  	s9 =	simm.s32 $0x40;
	p3 =	por $0x0, $0x0;
	[tilespmem:v11+s5+$0x0] =	vst.idx.add.f32.msk $0xffff, v2  }
.Ltmp15:
0x2af: {  	_ = 	snop;
	(pc) =	sbr.rel .LBB2_24-.Ltmp15, $1  }
0x2b0: {  	_ =	sdelay $0x3  }
.LBB2_25:
0x2b1: {  	_ =	sfence.sel $0x180000  }
0x2b2: {  	[bflag:$0x0] =	sbarrier.arrive $0xFFFF  }
0x2b3: {  	_ =	strace $0x90000047  }
0x2b4: {  	s0 =	stileid.u32;
	[bflag:$0x2] =	sbarrier.arrive $0xFFFF  }
0x2b5: {  	p0 =	sne.s32 s0, $0x0;
	s0 =	rddreg [dreg:$0x5]  }
0x2b6: {  	s0 =	sadd.s32 @!p0 $0x100000, s0  }
0x2b7: {  	[sflag:s0] =	ssyncadd.tile.s32 @!p0 $0x1;
	_ =	shalt  }
.Lfunc_end2:
_tile_overlayer_lowered:
.L_overlay_start_2:
0x2b8: {  	(tag) =	ssettag $0x2  }
0x2b9: {  	s0 =	rddreg [dreg:$0x0];
	s2 =	stileid.u32  }
0x2ba: {  	s1 =	rddreg [dreg:$0x1];
	p0 =	sne.s32 s2, $0x0  }
0x2bb: {  	s3 =	rddreg [dreg:$0x2];
	[bflag:$0x3] =	sbarrier.arrive $0xFFFF;
	s2 =	simm.s32 @!p0 $0x1C03  }
0x2bc: {  	[timem:s3], [sflag:s2] =	dma.local @!p0 [hbm:s0], s1  }
0x2bd: {  	s0 =	simm.s32 @!p0 $0x3  }
0x2be: {  	_ =	swait.ge @!p0 [sflag:s0], s1  }
0x2bf: {  	s1 =	ssub.s32 @!p0 $0x0, s1;
	[sflag:s0] =	ssyncset.done @!p0 $0x0  }
0x2c0: {  	[sflag:s0] =	ssyncadd.s32 @!p0 s1  }
0x2c1: {  	[bflag:$0x3] =	sbarrier.arrive $0xFFFF  }
0x2c2: {  	_ =	shalt  }

</sc_bundles>
